<compile_context>
chip_gen: v7x
topology: tpu7x:2x2x1
jax: 0.10.2.dev20260603
libtpu: 0.0.44.dev20260713+nightly
codegen_flags: <defaults>
</compile_context>

<pallas_src>
import math

import jax
import jax.numpy as jnp
from jax.experimental import pallas as pl
from jax.experimental.pallas import tpu as pltpu
from jax.experimental.pallas import tpu_sc as plsc

_B, _S = 4, 256
_N_NODE, _N_EDGE = 512, 1024
_ETYPE_DIM, _MEM_DIM, _TIME_DIM, _EVT_DIM, _OUT_DIM = 8, 32, 16, 32, 32
_MSG_DIM = _ETYPE_DIM + 2 * _MEM_DIM + _TIME_DIM + _EVT_DIM
_NQ = _B * _N_NODE
_NE = _B * _N_EDGE
_NEV = _B * _S

_NC, _NS = 2, 16
_NW = _NC * _NS

_MEM_CNT = _S + _S + _NQ
_MEM_PT = _MEM_CNT // _NW
_NODEF_PT = _NQ // _NW
_EDGEF_PT = _NE // _NW
_LU_CNT = _S + _NE
_LU_PT = _LU_CNT // _NW

_QB = 2048
_EB = 2048


def _sc_gather_body(mem_hbm, nodef_hbm, edgef_hbm, lu_hbm,
                    memidx_hbm, nodeidx_hbm, edgeidx_hbm, luidx_hbm,
                    nodevals_hbm, epvals_hbm, srcids_hbm, dstids_hbm,
                    mem_out, nodef_out, edgef_out, lu_out,
                    loc_out, insrc_out, indst_out,
                    mi_v, ni_v, ei_v, li_v, mr_v, nr_v, er_v, lr_v,
                    table_v, nodevals_v, ids_v, epv_v, res_v, sem):
    i32 = jnp.int32
    wid = jax.lax.axis_index("s") * _NC + jax.lax.axis_index("c")
    iota16 = jax.lax.broadcasted_iota(i32, (16,), 0)

    def fill_table(val):
        def body(i, _):
            table_v[pl.ds(i * 16, 16)] = jnp.full((16,), val, i32)
            return 0
        jax.lax.fori_loop(0, 50000 // 16, body, 0)

    @pl.when((wid == 0) | (wid == 3) | (wid == 4) | (wid == 5))
    def _localize():
        slot = jnp.where(wid == 0, 0, wid - 2)
        nchunk = _NQ // 16 // 4
        base = slot * nchunk
        fill_table(_NQ)
        pltpu.sync_copy(nodevals_hbm, nodevals_v)

        def chunk(c, _):
            cc = base + (nchunk - 1) - c
            idxv = nodevals_v[pl.ds(cc * 16, 16)]
            posv = jnp.full((16,), 0, i32) + cc * 16 + iota16
            for j in range(15, -1, -1):
                plsc.store_scatter(table_v, [idxv], posv, mask=iota16 == j)
            return 0
        jax.lax.fori_loop(0, nchunk, chunk, 0)
        pltpu.sync_copy(epvals_hbm, epv_v)

        def gat(g, _):
            vals = plsc.load_gather(table_v, [epv_v[pl.ds(g * 16, 16)]])
            res_v[pl.ds(g * 16, 16)] = vals
            return 0
        jax.lax.fori_loop(0, 2 * _NE // 16, gat, 0)
        pltpu.sync_copy(res_v, loc_out.at[slot])

    def membership(ids_hbm, flag_out):
        fill_table(0)
        pltpu.sync_copy(ids_hbm, ids_v)

        def scat(c, _):
            idxv = ids_v[pl.ds(c * 16, 16)]
            plsc.store_scatter(table_v, [idxv], jnp.full((16,), 1, i32))
            return 0
        jax.lax.fori_loop(0, _NEV // 16, scat, 0)
        pltpu.sync_copy(nodevals_hbm, nodevals_v)

        def gat(g, _):
            vals = plsc.load_gather(table_v, [nodevals_v[pl.ds(g * 16, 16)]])
            res_v[pl.ds(g * 16, 16)] = vals
            return 0
        jax.lax.fori_loop(0, _NQ // 16, gat, 0)
        pltpu.sync_copy(res_v.at[pl.ds(0, _NQ)], flag_out)

    @pl.when(wid == 1)
    def _insrc():
        membership(srcids_hbm, insrc_out)

    @pl.when(wid == 2)
    def _indst():
        membership(dstids_hbm, indst_out)
    b_mem = wid * _MEM_PT
    b_nod = wid * _NODEF_PT
    b_edg = wid * _EDGEF_PT
    b_lu = wid * _LU_PT
    pltpu.sync_copy(memidx_hbm.at[pl.ds(b_mem, _MEM_PT)], mi_v)
    pltpu.sync_copy(nodeidx_hbm.at[pl.ds(b_nod, _NODEF_PT)], ni_v)
    pltpu.sync_copy(edgeidx_hbm.at[pl.ds(b_edg, _EDGEF_PT)], ei_v)
    pltpu.sync_copy(luidx_hbm.at[pl.ds(b_lu, _LU_PT)], li_v)
    c0 = pltpu.async_copy(mem_hbm.at[mi_v], mr_v, sem)
    c1 = pltpu.async_copy(nodef_hbm.at[ni_v], nr_v, sem)
    c2 = pltpu.async_copy(edgef_hbm.at[ei_v], er_v, sem)
    c3 = pltpu.async_copy(lu_hbm.at[li_v], lr_v, sem)
    c0.wait()
    c1.wait()
    c2.wait()
    c3.wait()
    pltpu.sync_copy(mr_v, mem_out.at[pl.ds(b_mem, _MEM_PT)])
    pltpu.sync_copy(nr_v, nodef_out.at[pl.ds(b_nod, _NODEF_PT)])
    pltpu.sync_copy(er_v, edgef_out.at[pl.ds(b_edg, _EDGEF_PT)])
    pltpu.sync_copy(lr_v, lu_out.at[pl.ds(b_lu, _LU_PT)])


def _sc_gather(memory, node_features, edge_features, last_update,
               mem_idx, node_idx, edge_idx, lu_idx,
               node_vals, ep_vals, src_ids_flat, dst_ids_flat):
    return pl.kernel(
        _sc_gather_body,
        out_type=(
            jax.ShapeDtypeStruct((_MEM_CNT, _MEM_DIM), jnp.float32),
            jax.ShapeDtypeStruct((_NQ, _EVT_DIM), jnp.float32),
            jax.ShapeDtypeStruct((_NE, _EVT_DIM), jnp.float32),
            jax.ShapeDtypeStruct((_LU_CNT,), jnp.float32),
            jax.ShapeDtypeStruct((4, 2 * _NE), jnp.int32),
            jax.ShapeDtypeStruct((_NQ,), jnp.int32),
            jax.ShapeDtypeStruct((_NQ,), jnp.int32),
        ),
        mesh=plsc.VectorSubcoreMesh(core_axis_name="c", subcore_axis_name="s"),
        compiler_params=pltpu.CompilerParams(use_tc_tiling_on_sc=False,
                                             needs_layout_passes=False),
        scratch_types=[
            pltpu.VMEM((_MEM_PT,), jnp.int32),
            pltpu.VMEM((_NODEF_PT,), jnp.int32),
            pltpu.VMEM((_EDGEF_PT,), jnp.int32),
            pltpu.VMEM((_LU_PT,), jnp.int32),
            pltpu.VMEM((_MEM_PT, _MEM_DIM), jnp.float32),
            pltpu.VMEM((_NODEF_PT, _EVT_DIM), jnp.float32),
            pltpu.VMEM((_EDGEF_PT, _EVT_DIM), jnp.float32),
            pltpu.VMEM((_LU_PT,), jnp.float32),
            pltpu.VMEM((50000,), jnp.int32),
            pltpu.VMEM((_NQ,), jnp.int32),
            pltpu.VMEM((_NEV,), jnp.int32),
            pltpu.VMEM((2 * _NE,), jnp.int32),
            pltpu.VMEM((2 * _NE,), jnp.int32),
            pltpu.SemaphoreType.DMA,
        ],
    )(memory, node_features, edge_features, last_update,
      mem_idx, node_idx, edge_idx, lu_idx,
      node_vals, ep_vals, src_ids_flat, dst_ids_flat)


def _sigmoid(x):
    return 1.0 / (1.0 + jnp.exp(-x))


def _tanh(x):
    return 1.0 - 2.0 / (jnp.exp(2.0 * x) + 1.0)


def _tc_body(etype0, evpanel, evtemb0, lu_vals, mem_rows, srcdst0,
             node_col, nodef_rows, loc4, insrc, indst, edgets_col,
             edgef_rows,
             embw, timew, timeb, wih, whh, bih, bhh,
             wq, bq, wk, bk, wv, bv, we, wskip, bskip,
             out_ref):
    f32 = jnp.float32

    mem32 = mem_rows[...]
    memsrc0 = mem32[0:_S, :]
    memdst0 = mem32[_S:2 * _S, :]
    memnode = mem32[2 * _S:, :]
    nodef = nodef_rows[...]
    edgef = edgef_rows[...]
    lu_col = jnp.reshape(lu_vals[...], (_LU_CNT, 1))
    lu0 = lu_col[0:_S, :]
    luedge_col = lu_col[_S:, :]

    et = etype0[...]
    is_node_event = ((et == 3) | (et == 4)).astype(f32)
    is_not_special = 1.0 - ((et == 0) | (et == 1) | (et == 2)).astype(f32)
    t0 = evpanel[:, 0:1]
    smask = evpanel[:, 1:2]
    dmask = evpanel[:, 2:3]
    rel_edge_ts = t0 - lu0 * dmask
    t_in = t0 * is_node_event + rel_edge_ts * dmask
    tw = jnp.reshape(timew[...], (1, _TIME_DIM))
    tb = jnp.reshape(timeb[...], (1, _TIME_DIM))
    ts_emb = jnp.cos(t_in * tw + tb) * is_not_special
    iota7 = jax.lax.broadcasted_iota(jnp.int32, (1, 7), 1)
    etype_oh = (et == iota7).astype(f32)
    etype_embs = jnp.dot(etype_oh, embw[...], preferred_element_type=f32)
    src_embs = memsrc0 * smask
    dst_embs = memdst0 * dmask
    evt = evtemb0[...]
    src_msgs = jnp.concatenate(
        [etype_embs, src_embs, dst_embs, ts_emb, evt], axis=1) * is_not_special
    dst_msgs = jnp.concatenate(
        [etype_embs, dst_embs, src_embs, ts_emb, evt], axis=1) * dmask

    s0row = srcdst0[0:1, :]
    d0row = srcdst0[1:2, :]
    msrc_l, mdst_l = [], []
    for qb in range(0, _NQ, _QB):
        nc = node_col[pl.ds(qb, _QB), :]
        es0 = (nc == s0row).astype(f32)
        ed0 = (nc == d0row).astype(f32)
        cs = jnp.sum(es0, axis=1, keepdims=True)
        cd = jnp.sum(ed0, axis=1, keepdims=True)
        msrc_l.append(jnp.dot(es0, src_msgs, preferred_element_type=f32)
                      / jnp.maximum(cs, 1.0))
        mdst_l.append(jnp.dot(ed0, dst_msgs, preferred_element_type=f32)
                      / jnp.maximum(cd, 1.0))
    in_src = jnp.reshape(insrc[...], (_NQ, 1)) > 0
    in_dst = jnp.reshape(indst[...], (_NQ, 1)) > 0
    mean_src = jnp.concatenate(msrc_l, axis=0)
    mean_dst = jnp.concatenate(mdst_l, axis=0)

    msg = jnp.where(in_dst, mean_dst, mean_src)
    h = memnode
    gi = (jnp.dot(msg, wih[...], preferred_element_type=f32)
          + jnp.reshape(bih[...], (1, 3 * _MEM_DIM)))
    gh = (jnp.dot(h, whh[...], preferred_element_type=f32)
          + jnp.reshape(bhh[...], (1, 3 * _MEM_DIM)))
    r = _sigmoid(gi[:, 0:32] + gh[:, 0:32])
    z = _sigmoid(gi[:, 32:64] + gh[:, 32:64])
    n = _tanh(gi[:, 64:96] + r * gh[:, 64:96])
    gru = (1.0 - z) * n + z * h
    new_mem = jnp.where(in_src | in_dst, gru, h)
    x = jnp.concatenate([nodef, new_mem], axis=1)

    iota_row_n = jax.lax.broadcasted_iota(jnp.int32, (1, _NQ), 1)
    iota_col_n = jax.lax.broadcasted_iota(jnp.int32, (_NQ, 1), 0)
    locm = jnp.min(loc4[...], axis=0, keepdims=True)
    locm = jnp.where(locm == _NQ, 0, locm)
    src_loc = jnp.reshape(locm[:, 0:_NE], (_NE, 1))
    dst_loc = jnp.reshape(locm[:, _NE:], (_NE, 1))
    dst_loc_r = locm[:, _NE:]

    bias32 = lambda b: jnp.reshape(b[...], (1, _OUT_DIM))
    q = jnp.dot(x, wq[...], preferred_element_type=f32) + bias32(bq)
    k = jnp.dot(x, wk[...], preferred_element_type=f32) + bias32(bk)
    v = jnp.dot(x, wv[...], preferred_element_type=f32) + bias32(bv)
    rel_te = edgets_col[...] - luedge_col
    rte = jnp.cos(rel_te * tw + tb)
    eattr = jnp.concatenate([rte, edgef], axis=1)
    e = jnp.dot(eattr, we[...], preferred_element_type=f32)
    inv = 1.0 / math.sqrt(float(_OUT_DIM))

    bf16 = jnp.bfloat16
    kb = k.astype(bf16)
    vb = v.astype(bf16)
    qb = q.astype(bf16)
    den = jnp.zeros((_NQ, 1), f32)
    num = jnp.zeros((_NQ, _OUT_DIM), f32)
    for eb in range(0, _NE, _EB):
        s_eq = (src_loc[eb:eb + _EB] == iota_row_n).astype(bf16)
        d_eq = (dst_loc[eb:eb + _EB] == iota_row_n).astype(bf16)
        e_blk = e[eb:eb + _EB]
        ke = jnp.dot(s_eq, kb, preferred_element_type=f32) + e_blk
        ve = jnp.dot(s_eq, vb, preferred_element_type=f32) + e_blk
        qd = jnp.dot(d_eq, qb, preferred_element_type=f32)
        lg = jnp.sum(qd * ke, axis=1, keepdims=True) * inv
        ex = jnp.exp(lg)
        d_eq_t = (iota_col_n == dst_loc_r[:, eb:eb + _EB]).astype(f32)
        den = den + jnp.dot(d_eq_t, ex, preferred_element_type=f32)
        num = num + jnp.dot(d_eq_t, ex * ve, preferred_element_type=f32)
    out = num / jnp.maximum(den, 1e-16)
    out = (out + jnp.dot(x, wskip[...], preferred_element_type=f32)
           + bias32(bskip))
    out_ref[...] = jnp.reshape(out, (_B, _N_NODE, _OUT_DIM))


def _tc_compute(*args):
    return pl.pallas_call(
        _tc_body,
        out_shape=jax.ShapeDtypeStruct((_B, _N_NODE, _OUT_DIM), jnp.float32),
    )(*args)


def kernel(event_type_ids, src_ids, src_mask, dst_ids, dst_mask,
           event_edge_ids, event_embeddings, event_timestamps, node_ids,
           edge_ids, edge_index, edge_timestamps, memory, last_update,
           node_features, edge_features, event_type_emb_w, time_w, time_b,
           gru_W_ih, gru_W_hh, gru_b_ih, gru_b_hh,
           Wq, bq, Wk, bk, Wv, bv, We, Wskip, bskip):
    i32 = jnp.int32
    node_flat = node_ids.reshape(-1).astype(i32)
    edge_flat = edge_ids.reshape(-1).astype(i32)
    mem_idx = jnp.concatenate(
        [src_ids[0].astype(i32), dst_ids[0].astype(i32), node_flat])
    lu_idx = jnp.concatenate([event_edge_ids[0].astype(i32), edge_flat])

    ep_vals = jnp.concatenate(
        [edge_index[:, 0, :].reshape(-1), edge_index[:, 1, :].reshape(-1)]
    ).astype(i32)
    src_flat = src_ids.reshape(-1).astype(i32)
    dst_flat = dst_ids.reshape(-1).astype(i32)

    mem_rows, nodef_rows, edgef_rows, lu_vals, loc, insrc, indst = \
        _sc_gather(memory, node_features, edge_features, last_update,
                   mem_idx, node_flat, edge_flat, lu_idx,
                   node_flat, ep_vals, src_flat, dst_flat)

    evpanel = jnp.stack([event_timestamps[0], src_mask[0], dst_mask[0]],
                        axis=1)
    return _tc_compute(
        event_type_ids[0][:, None].astype(i32),
        evpanel,
        event_embeddings[0],
        lu_vals,
        mem_rows,
        jnp.stack([src_ids[0], dst_ids[0]]).astype(i32),
        node_flat[:, None],
        nodef_rows,
        loc,
        insrc,
        indst,
        edge_timestamps.reshape(-1, 1),
        edgef_rows,
        event_type_emb_w,
        time_w,
        time_b,
        gru_W_ih.T,
        gru_W_hh.T,
        gru_b_ih,
        gru_b_hh,
        Wq, bq, Wk, bk, Wv, bv,
        We, Wskip, bskip,
    )

# --- scband reference (transcript-rebuilt; emitter-appended) ---
"""Pipeline reference for scband-temporal-graph-network-85444079387010 (READ-ONLY COPY).

The authoritative reference and input builder live on the scoring server;
editing this copy changes nothing except your own understanding.
"""

import jax
import jax.numpy as jnp
import numpy as np

B, S = 4, 256
N_NODE, N_EDGE = 512, 1024
MAX_NODES, MAX_EDGES = 50000, 100000
N_ETYPE = 7
ETYPE_DIM, MEM_DIM, TIME_DIM, EVT_DIM, OUT_DIM = 8, 32, 16, 32, 32
MSG_DIM = ETYPE_DIM + 2 * MEM_DIM + TIME_DIM + EVT_DIM
GNN_IN = EVT_DIM + MEM_DIM
EDGE_ATTR_DIM = TIME_DIM + EVT_DIM


def setup_inputs(seed: int = 0):
    key = jax.random.key(seed)
    k = [jax.random.fold_in(key, i) for i in range(40)]
    inp = {}
    inp['event_type_ids'] = jax.random.randint(k[0], (B, S), 0, N_ETYPE)
    inp['src_ids'] = jax.random.randint(k[1], (B, S), 0, MAX_NODES)
    inp['src_mask'] = jnp.ones((B, S), jnp.float32)
    inp['dst_ids'] = jax.random.randint(k[2], (B, S), 0, MAX_NODES)
    inp['dst_mask'] = jnp.ones((B, S), jnp.float32)
    inp['event_edge_ids'] = jax.random.randint(k[3], (B, S), 0, MAX_EDGES)
    inp['event_embeddings'] = jax.random.normal(k[4], (B, S, EVT_DIM), jnp.float32)
    inp['event_timestamps'] = jax.random.uniform(k[5], (B, S), jnp.float32)
    inp['node_ids'] = jax.random.randint(k[6], (B, N_NODE), 0, MAX_NODES)
    inp['edge_ids'] = jax.random.randint(k[7], (B, N_EDGE), 0, MAX_EDGES)
    inp['edge_index'] = jax.random.randint(k[8], (B, 2, N_EDGE), 0, MAX_NODES)
    inp['edge_timestamps'] = jax.random.uniform(k[9], (B, N_EDGE), jnp.float32)
    inp['memory'] = jax.random.normal(k[10], (MAX_NODES, MEM_DIM), jnp.float32) * 0.1
    inp['last_update'] = jax.random.uniform(k[11], (MAX_EDGES,), jnp.float32)
    inp['node_features'] = jax.random.normal(k[12], (MAX_NODES, EVT_DIM), jnp.float32) * 0.1
    inp['edge_features'] = jax.random.normal(k[13], (MAX_EDGES, EVT_DIM), jnp.float32) * 0.1
    inp['event_type_emb_w'] = jax.random.normal(k[14], (N_ETYPE, ETYPE_DIM), jnp.float32) * 0.05
    inp['time_w'] = jax.random.normal(k[15], (TIME_DIM,), jnp.float32) * 0.05
    inp['time_b'] = jax.random.normal(k[16], (TIME_DIM,), jnp.float32) * 0.05
    inp['gru_W_ih'] = jax.random.normal(k[17], (3 * MEM_DIM, MSG_DIM), jnp.float32) * 0.05
    inp['gru_W_hh'] = jax.random.normal(k[18], (3 * MEM_DIM, MEM_DIM), jnp.float32) * 0.05
    inp['gru_b_ih'] = jnp.zeros((3 * MEM_DIM,), jnp.float32)
    inp['gru_b_hh'] = jnp.zeros((3 * MEM_DIM,), jnp.float32)
    inp['Wq'] = jax.random.normal(k[19], (GNN_IN, OUT_DIM), jnp.float32) * 0.05
    inp['bq'] = jnp.zeros((OUT_DIM,), jnp.float32)
    inp['Wk'] = jax.random.normal(k[20], (GNN_IN, OUT_DIM), jnp.float32) * 0.05
    inp['bk'] = jnp.zeros((OUT_DIM,), jnp.float32)
    inp['Wv'] = jax.random.normal(k[21], (GNN_IN, OUT_DIM), jnp.float32) * 0.05
    inp['bv'] = jnp.zeros((OUT_DIM,), jnp.float32)
    inp['We'] = jax.random.normal(k[22], (EDGE_ATTR_DIM, OUT_DIM), jnp.float32) * 0.05
    inp['Wskip'] = jax.random.normal(k[23], (GNN_IN, OUT_DIM), jnp.float32) * 0.05
    inp['bskip'] = jnp.zeros((OUT_DIM,), jnp.float32)
    return inp


def time_enc(t, w, b):
    return jnp.cos(t[..., None] * w + b)


def gru_cell(x, h, W_ih, W_hh, b_ih, b_hh):
    gi = x @ W_ih.T + b_ih
    gh = h @ W_hh.T + b_hh
    i_r, i_z, i_n = jnp.split(gi, 3, axis=-1)
    h_r, h_z, h_n = jnp.split(gh, 3, axis=-1)
    r = jax.nn.sigmoid(i_r + h_r)
    z = jax.nn.sigmoid(i_z + h_z)
    n = jnp.tanh(i_n + r * h_n)
    return (1.0 - z) * n + z * h


def localize_edge_index(edge_index, node_ids):
    flat_nodes = node_ids.reshape(-1)
    flat_edges = edge_index.reshape(-1)
    matches = flat_nodes[:, None] == flat_edges[None, :]
    cond = (jnp.cumsum(matches.astype(jnp.int32), axis=0) == 1) & matches
    idx = jnp.argmax(cond, axis=0)
    return idx.reshape(edge_index.shape)


def agg_message(messages, ids):
    def one(m, i):
        s = jax.ops.segment_sum(m, i, num_segments=MAX_NODES)
        c = jax.ops.segment_sum(jnp.ones(i.shape, jnp.float32), i, num_segments=MAX_NODES)
        return s / jnp.maximum(c, 1.0)[:, None]
    return jax.vmap(one)(messages, ids)


def transformer_conv(x, edge_index, edge_attr, Wq, bq, Wk, bk, Wv, bv, We, Wskip, bskip):
    src = edge_index[0]
    dst = edge_index[1]
    q = x @ Wq + bq
    k = x @ Wk + bk
    v = x @ Wv + bv
    e = edge_attr @ We
    ke = k[src] + e
    ve = v[src] + e
    logits = (q[dst] * ke).sum(-1) / jnp.sqrt(jnp.float32(OUT_DIM))
    n = x.shape[0]
    mx = jax.ops.segment_max(logits, dst, num_segments=n)
    mx = jax.lax.stop_gradient(jnp.where(jnp.isfinite(mx), mx, 0.0))
    ex = jnp.exp(logits - mx[dst])
    den = jax.ops.segment_sum(ex, dst, num_segments=n)
    alpha = ex / jnp.maximum(den[dst], 1e-16)
    out = jax.ops.segment_sum(alpha[:, None] * ve, dst, num_segments=n)
    return out + x @ Wskip + bskip


def reference(event_type_ids, src_ids, src_mask, dst_ids, dst_mask, event_edge_ids,
              event_embeddings, event_timestamps, node_ids, edge_ids, edge_index,
              edge_timestamps, memory, last_update, node_features, edge_features,
              event_type_emb_w, time_w, time_b, gru_W_ih, gru_W_hh, gru_b_ih, gru_b_hh,
              Wq, bq, Wk, bk, Wv, bv, We, Wskip, bskip):
    uniq_src = jnp.unique(src_ids, size=src_ids.size)
    uniq_dst = jnp.unique(dst_ids, size=dst_ids.size)
    uniq = jnp.concatenate([uniq_src, uniq_dst])
    loc_ei = localize_edge_index(edge_index, node_ids)
    ei = jnp.transpose(loc_ei, (1, 0, 2)).reshape(2, -1)
    # message()
    etype_embs = event_type_emb_w[event_type_ids]
    src_embs = memory[src_ids] * src_mask[..., None]
    dst_embs = memory[dst_ids] * dst_mask[..., None]
    edge_last_update = last_update[event_edge_ids]
    rel_edge_ts = event_timestamps - edge_last_update * dst_mask
    is_node_event = ((event_type_ids == 3) | (event_type_ids == 4)).astype(jnp.float32)
    is_not_special = (~((event_type_ids == 0) | (event_type_ids == 1) | (event_type_ids == 2))).astype(jnp.float32)
    t_in = event_timestamps * is_node_event + rel_edge_ts * dst_mask
    ts_emb = time_enc(t_in, time_w, time_b).reshape(B, -1, TIME_DIM) * is_not_special[..., None]
    src_msgs = jnp.concatenate([etype_embs, src_embs, dst_embs, ts_emb, event_embeddings], axis=-1) * is_not_special[..., None]
    dst_msgs = jnp.concatenate([etype_embs, dst_embs, src_embs, ts_emb, event_embeddings], axis=-1) * dst_mask[..., None]
    # aggregate + memory update (GRU)
    agg_src = agg_message(src_msgs, src_ids).reshape(-1, MSG_DIM)
    agg_dst = agg_message(dst_msgs, dst_ids).reshape(-1, MSG_DIM)
    new_h = gru_cell(jnp.concatenate([agg_src[uniq_src], agg_dst[uniq_dst]], axis=0),
                     memory[uniq], gru_W_ih, gru_W_hh, gru_b_ih, gru_b_hh)
    memory2 = memory.at[uniq].set(new_h)
    # GNN over queried subgraph
    rel_t = edge_timestamps - last_update[edge_ids]
    rel_t_embs = time_enc(rel_t, time_w, time_b).reshape(rel_t.shape[0], -1, TIME_DIM)
    x = jnp.concatenate([node_features[node_ids], memory2[node_ids]], axis=-1).reshape(-1, GNN_IN)
    eattr = jnp.concatenate([rel_t_embs, edge_features[edge_ids]], axis=-1).reshape(-1, EDGE_ATTR_DIM)
    node_emb = transformer_conv(x, ei, eattr, Wq, bq, Wk, bk, Wv, bv, We, Wskip, bskip)
    return node_emb.reshape(B, -1, OUT_DIM)

if __name__ == "__main__":
    import jax
    _d = setup_inputs()
    print(jax.jit(kernel)(*tuple(_d.values())))

</pallas_src>

<mosaic_0001>
#map = affine_map<(d0, d1) -> (0, 0)>
#map1 = affine_map<(d0, d1) -> (0)>
module attributes {stable_mosaic.version = 14 : i64} {
  func.func @_sc_gather_body(%arg0: i32, %arg1: i32, %arg2: memref<50000x32xf32, #tpu.memory_space<hbm>>, %arg3: memref<50000x32xf32, #tpu.memory_space<hbm>>, %arg4: memref<100000x32xf32, #tpu.memory_space<hbm>>, %arg5: memref<100000xf32, #tpu.memory_space<hbm>>, %arg6: memref<2560xi32, #tpu.memory_space<hbm>>, %arg7: memref<2048xi32, #tpu.memory_space<hbm>>, %arg8: memref<4096xi32, #tpu.memory_space<hbm>>, %arg9: memref<4352xi32, #tpu.memory_space<hbm>>, %arg10: memref<2048xi32, #tpu.memory_space<hbm>>, %arg11: memref<8192xi32, #tpu.memory_space<hbm>>, %arg12: memref<1024xi32, #tpu.memory_space<hbm>>, %arg13: memref<1024xi32, #tpu.memory_space<hbm>>, %arg14: memref<2560x32xf32, #tpu.memory_space<hbm>>, %arg15: memref<2048x32xf32, #tpu.memory_space<hbm>>, %arg16: memref<4096x32xf32, #tpu.memory_space<hbm>>, %arg17: memref<4352xf32, #tpu.memory_space<hbm>>, %arg18: memref<4x8192xi32, #tpu.memory_space<hbm>>, %arg19: memref<2048xi32, #tpu.memory_space<hbm>>, %arg20: memref<2048xi32, #tpu.memory_space<hbm>>, %arg21: memref<80xi32, #tpu.memory_space<vmem>>, %arg22: memref<64xi32, #tpu.memory_space<vmem>>, %arg23: memref<128xi32, #tpu.memory_space<vmem>>, %arg24: memref<136xi32, #tpu.memory_space<vmem>>, %arg25: memref<80x32xf32, #tpu.memory_space<vmem>>, %arg26: memref<64x32xf32, #tpu.memory_space<vmem>>, %arg27: memref<128x32xf32, #tpu.memory_space<vmem>>, %arg28: memref<136xf32, #tpu.memory_space<vmem>>, %arg29: memref<50000xi32, #tpu.memory_space<vmem>>, %arg30: memref<2048xi32, #tpu.memory_space<vmem>>, %arg31: memref<1024xi32, #tpu.memory_space<vmem>>, %arg32: memref<8192xi32, #tpu.memory_space<vmem>>, %arg33: memref<8192xi32, #tpu.memory_space<vmem>>, %arg34: memref<!tpu.dma_semaphore, #tpu.memory_space<semaphore_mem>>) attributes {dimension_semantics = [#tpu.dimension_semantics<core_parallel>, #tpu.dimension_semantics<subcore_parallel>], iteration_bounds = array<i64: 2, 16>, scalar_prefetch = 0 : i64, scratch_operands = 14 : i64, tpu.core_type = #tpu.core_type<sc_vector_subcore>, window_params = [{transform_indices = #map}, {transform_indices = #map}, {transform_indices = #map}, {transform_indices = #map1}, {transform_indices = #map1}, {transform_indices = #map1}, {transform_indices = #map1}, {transform_indices = #map1}, {transform_indices = #map1}, {transform_indices = #map1}, {transform_indices = #map1}, {transform_indices = #map1}, {transform_indices = #map}, {transform_indices = #map}, {transform_indices = #map}, {transform_indices = #map1}, {transform_indices = #map}, {transform_indices = #map1}, {transform_indices = #map1}]} {
    %mul3A = arith.constant 2 : i32
    %mul3A_0 = arith.muli %arg1, %mul3A : i32
    %add3A = arith.addi %mul3A_0, %arg0 : i32
    %iota3A = tpu.iota {dimensions = array<i32: 0>} : vector<16xi32>
    %eq3A = arith.constant 0 : i32
    %eq3A_1 = arith.cmpi eq, %add3A, %eq3A : i32
    %eq3A_2 = arith.constant 3 : i32
    %eq3A_3 = arith.cmpi eq, %add3A, %eq3A_2 : i32
    %or3A = arith.ori %eq3A_1, %eq3A_3 : i1
    %eq3A_4 = arith.constant 4 : i32
    %eq3A_5 = arith.cmpi eq, %add3A, %eq3A_4 : i32
    %or3A_6 = arith.ori %or3A, %eq3A_5 : i1
    %eq3A_7 = arith.constant 5 : i32
    %eq3A_8 = arith.cmpi eq, %add3A, %eq3A_7 : i32
    %or3A_9 = arith.ori %or3A_6, %eq3A_8 : i1
    %convert_element_type3A = arith.extui %or3A_9 : i1 to i32
    %cond3A = arith.constant 0 : i32
    %cond3A_10 = arith.cmpi ne, %convert_element_type3A, %cond3A : i32
    scf.if %cond3A_10 {
      %eq3A_49 = arith.constant 0 : i32
      %eq3A_50 = arith.cmpi eq, %add3A, %eq3A_49 : i32
      %sub3A = arith.constant 2 : i32
      %sub3A_51 = arith.subi %add3A, %sub3A : i32
      %jit3A = arith.constant 0 : i32
      %select_n3A = arith.select %eq3A_50, %jit3A, %sub3A_51 : i32
      %mul3A_52 = arith.constant 32 : i32
      %mul3A_53 = arith.muli %select_n3A, %mul3A_52 : i32
      %scan3A = arith.constant 0 : i32
      %scan3A_54 = arith.constant 0 : i32
      %scan3A_55 = arith.constant 3125 : i32
      %scan3A_56 = arith.addi %scan3A_54, %scan3A_55 : i32
      %scan3A_57 = arith.constant 1 : i32
      %scan3A_58 = scf.for %scan3A_74 = %scan3A_54 to %scan3A_56 step %scan3A_57 iter_args(%scan3A_75 = %scan3A) -> (i32)  : i32 {
        %broadcast_in_dim3A = arith.constant 2048 : i32
        %broadcast_in_dim3A_76 = vector.broadcast %broadcast_in_dim3A : i32 to vector<16xi32>
        %mul3A_77 = arith.constant 16 : i32
        %mul3A_78 = arith.muli %scan3A_74, %mul3A_77 : i32
        %swap3A = arith.index_cast %mul3A_78 : i32 to index
        %swap3A_79 = tpu.vector_load %arg29[%swap3A] {strides = array<i32>} : memref<50000xi32, #tpu.memory_space<vmem>>, vector<16xi32>,
        tpu.vector_store %arg29[%swap3A], %broadcast_in_dim3A_76 {strides = array<i32>} : memref<50000xi32, #tpu.memory_space<vmem>>, vector<16xi32>,
        %scan3A_80 = arith.constant 0 : i32
        scf.yield %scan3A_80 : i32
      }
      %scan3A_59 = arith.constant 3125 : i32
      "tpu.region"() ({
        %run_scoped3A = tpu.sem_alloc : memref<!tpu.dma_semaphore, #tpu.memory_space<semaphore_mem>>
        tpu.enqueue_dma source(%arg10 : memref<2048xi32, #tpu.memory_space<hbm>>) target(%arg30 : memref<2048xi32, #tpu.memory_space<vmem>>) target_semaphore(%run_scoped3A : memref<!tpu.dma_semaphore, #tpu.memory_space<semaphore_mem>>)
        tpu.wait_dma2 semaphore(%run_scoped3A : memref<!tpu.dma_semaphore, #tpu.memory_space<semaphore_mem>>) src(%arg10 : memref<2048xi32, #tpu.memory_space<hbm>>) dst(%arg30 : memref<2048xi32, #tpu.memory_space<vmem>>)
        tpu.yield
      }) : () -> ()
      %scan3A_60 = arith.constant 0 : i32
      %scan3A_61 = arith.constant 0 : i32
      %scan3A_62 = arith.constant 32 : i32
      %scan3A_63 = arith.addi %scan3A_61, %scan3A_62 : i32
      %scan3A_64 = arith.constant 1 : i32
      %scan3A_65 = scf.for %scan3A_74 = %scan3A_61 to %scan3A_63 step %scan3A_64 iter_args(%scan3A_75 = %scan3A_60) -> (i32)  : i32 {
        %add3A_76 = arith.constant 31 : i32
        %add3A_77 = arith.addi %mul3A_53, %add3A_76 : i32
        %sub3A_78 = arith.subi %add3A_77, %scan3A_74 : i32
        %mul3A_79 = arith.constant 16 : i32
        %mul3A_80 = arith.muli %sub3A_78, %mul3A_79 : i32
        %get3A = arith.index_cast %mul3A_80 : i32 to index
        %get3A_81 = tpu.vector_load %arg30[%get3A] {strides = array<i32>} : memref<2048xi32, #tpu.memory_space<vmem>>, vector<16xi32>,
        %broadcast_in_dim3A = arith.constant 0 : i32
        %broadcast_in_dim3A_82 = vector.broadcast %broadcast_in_dim3A : i32 to vector<16xi32>
        %mul3A_83 = arith.constant 16 : i32
        %mul3A_84 = arith.muli %sub3A_78, %mul3A_83 : i32
        %add3A_85 = vector.broadcast %mul3A_84 : i32 to vector<16xi32>
        %add3A_86 = arith.addi %broadcast_in_dim3A_82, %add3A_85 : vector<16xi32>
        %add3A_87 = arith.addi %add3A_86, %iota3A : vector<16xi32>
        %eq3A_88 = arith.constant 15 : i32
        %eq3A_89 = vector.broadcast %eq3A_88 : i32 to vector<16xi32>
        %eq3A_90 = arith.cmpi eq, %iota3A, %eq3A_89 : vector<16xi32>
        tpu.vector_store_idx %arg29[%get3A_81], %add3A_87 masked %eq3A_90 : memref<50000xi32, #tpu.memory_space<vmem>>[vector<16xi32>], vector<16xi32>, vector<16xi1>
        %eq3A_91 = arith.constant 14 : i32
        %eq3A_92 = vector.broadcast %eq3A_91 : i32 to vector<16xi32>
        %eq3A_93 = arith.cmpi eq, %iota3A, %eq3A_92 : vector<16xi32>
        tpu.vector_store_idx %arg29[%get3A_81], %add3A_87 masked %eq3A_93 : memref<50000xi32, #tpu.memory_space<vmem>>[vector<16xi32>], vector<16xi32>, vector<16xi1>
        %eq3A_94 = arith.constant 13 : i32
        %eq3A_95 = vector.broadcast %eq3A_94 : i32 to vector<16xi32>
        %eq3A_96 = arith.cmpi eq, %iota3A, %eq3A_95 : vector<16xi32>
        tpu.vector_store_idx %arg29[%get3A_81], %add3A_87 masked %eq3A_96 : memref<50000xi32, #tpu.memory_space<vmem>>[vector<16xi32>], vector<16xi32>, vector<16xi1>
        %eq3A_97 = arith.constant 12 : i32
        %eq3A_98 = vector.broadcast %eq3A_97 : i32 to vector<16xi32>
        %eq3A_99 = arith.cmpi eq, %iota3A, %eq3A_98 : vector<16xi32>
        tpu.vector_store_idx %arg29[%get3A_81], %add3A_87 masked %eq3A_99 : memref<50000xi32, #tpu.memory_space<vmem>>[vector<16xi32>], vector<16xi32>, vector<16xi1>
        %eq3A_100 = arith.constant 11 : i32
        %eq3A_101 = vector.broadcast %eq3A_100 : i32 to vector<16xi32>
        %eq3A_102 = arith.cmpi eq, %iota3A, %eq3A_101 : vector<16xi32>
        tpu.vector_store_idx %arg29[%get3A_81], %add3A_87 masked %eq3A_102 : memref<50000xi32, #tpu.memory_space<vmem>>[vector<16xi32>], vector<16xi32>, vector<16xi1>
        %eq3A_103 = arith.constant 10 : i32
        %eq3A_104 = vector.broadcast %eq3A_103 : i32 to vector<16xi32>
        %eq3A_105 = arith.cmpi eq, %iota3A, %eq3A_104 : vector<16xi32>
        tpu.vector_store_idx %arg29[%get3A_81], %add3A_87 masked %eq3A_105 : memref<50000xi32, #tpu.memory_space<vmem>>[vector<16xi32>], vector<16xi32>, vector<16xi1>
        %eq3A_106 = arith.constant 9 : i32
        %eq3A_107 = vector.broadcast %eq3A_106 : i32 to vector<16xi32>
        %eq3A_108 = arith.cmpi eq, %iota3A, %eq3A_107 : vector<16xi32>
        tpu.vector_store_idx %arg29[%get3A_81], %add3A_87 masked %eq3A_108 : memref<50000xi32, #tpu.memory_space<vmem>>[vector<16xi32>], vector<16xi32>, vector<16xi1>
        %eq3A_109 = arith.constant 8 : i32
        %eq3A_110 = vector.broadcast %eq3A_109 : i32 to vector<16xi32>
        %eq3A_111 = arith.cmpi eq, %iota3A, %eq3A_110 : vector<16xi32>
        tpu.vector_store_idx %arg29[%get3A_81], %add3A_87 masked %eq3A_111 : memref<50000xi32, #tpu.memory_space<vmem>>[vector<16xi32>], vector<16xi32>, vector<16xi1>
        %eq3A_112 = arith.constant 7 : i32
        %eq3A_113 = vector.broadcast %eq3A_112 : i32 to vector<16xi32>
        %eq3A_114 = arith.cmpi eq, %iota3A, %eq3A_113 : vector<16xi32>
        tpu.vector_store_idx %arg29[%get3A_81], %add3A_87 masked %eq3A_114 : memref<50000xi32, #tpu.memory_space<vmem>>[vector<16xi32>], vector<16xi32>, vector<16xi1>
        %eq3A_115 = arith.constant 6 : i32
        %eq3A_116 = vector.broadcast %eq3A_115 : i32 to vector<16xi32>
        %eq3A_117 = arith.cmpi eq, %iota3A, %eq3A_116 : vector<16xi32>
        tpu.vector_store_idx %arg29[%get3A_81], %add3A_87 masked %eq3A_117 : memref<50000xi32, #tpu.memory_space<vmem>>[vector<16xi32>], vector<16xi32>, vector<16xi1>
        %eq3A_118 = arith.constant 5 : i32
        %eq3A_119 = vector.broadcast %eq3A_118 : i32 to vector<16xi32>
        %eq3A_120 = arith.cmpi eq, %iota3A, %eq3A_119 : vector<16xi32>
        tpu.vector_store_idx %arg29[%get3A_81], %add3A_87 masked %eq3A_120 : memref<50000xi32, #tpu.memory_space<vmem>>[vector<16xi32>], vector<16xi32>, vector<16xi1>
        %eq3A_121 = arith.constant 4 : i32
        %eq3A_122 = vector.broadcast %eq3A_121 : i32 to vector<16xi32>
        %eq3A_123 = arith.cmpi eq, %iota3A, %eq3A_122 : vector<16xi32>
        tpu.vector_store_idx %arg29[%get3A_81], %add3A_87 masked %eq3A_123 : memref<50000xi32, #tpu.memory_space<vmem>>[vector<16xi32>], vector<16xi32>, vector<16xi1>
        %eq3A_124 = arith.constant 3 : i32
        %eq3A_125 = vector.broadcast %eq3A_124 : i32 to vector<16xi32>
        %eq3A_126 = arith.cmpi eq, %iota3A, %eq3A_125 : vector<16xi32>
        tpu.vector_store_idx %arg29[%get3A_81], %add3A_87 masked %eq3A_126 : memref<50000xi32, #tpu.memory_space<vmem>>[vector<16xi32>], vector<16xi32>, vector<16xi1>
        %eq3A_127 = arith.constant 2 : i32
        %eq3A_128 = vector.broadcast %eq3A_127 : i32 to vector<16xi32>
        %eq3A_129 = arith.cmpi eq, %iota3A, %eq3A_128 : vector<16xi32>
        tpu.vector_store_idx %arg29[%get3A_81], %add3A_87 masked %eq3A_129 : memref<50000xi32, #tpu.memory_space<vmem>>[vector<16xi32>], vector<16xi32>, vector<16xi1>
        %eq3A_130 = arith.constant 1 : i32
        %eq3A_131 = vector.broadcast %eq3A_130 : i32 to vector<16xi32>
        %eq3A_132 = arith.cmpi eq, %iota3A, %eq3A_131 : vector<16xi32>
        tpu.vector_store_idx %arg29[%get3A_81], %add3A_87 masked %eq3A_132 : memref<50000xi32, #tpu.memory_space<vmem>>[vector<16xi32>], vector<16xi32>, vector<16xi1>
        %eq3A_133 = arith.constant 0 : i32
        %eq3A_134 = vector.broadcast %eq3A_133 : i32 to vector<16xi32>
        %eq3A_135 = arith.cmpi eq, %iota3A, %eq3A_134 : vector<16xi32>
        tpu.vector_store_idx %arg29[%get3A_81], %add3A_87 masked %eq3A_135 : memref<50000xi32, #tpu.memory_space<vmem>>[vector<16xi32>], vector<16xi32>, vector<16xi1>
        %scan3A_136 = arith.constant 0 : i32
        scf.yield %scan3A_136 : i32
      }
      %scan3A_66 = arith.constant 32 : i32
      "tpu.region"() ({
        %run_scoped3A = tpu.sem_alloc : memref<!tpu.dma_semaphore, #tpu.memory_space<semaphore_mem>>
        tpu.enqueue_dma source(%arg11 : memref<8192xi32, #tpu.memory_space<hbm>>) target(%arg32 : memref<8192xi32, #tpu.memory_space<vmem>>) target_semaphore(%run_scoped3A : memref<!tpu.dma_semaphore, #tpu.memory_space<semaphore_mem>>)
        tpu.wait_dma2 semaphore(%run_scoped3A : memref<!tpu.dma_semaphore, #tpu.memory_space<semaphore_mem>>) src(%arg11 : memref<8192xi32, #tpu.memory_space<hbm>>) dst(%arg32 : memref<8192xi32, #tpu.memory_space<vmem>>)
        tpu.yield
      }) : () -> ()
      %scan3A_67 = arith.constant 0 : i32
      %scan3A_68 = arith.constant 0 : i32
      %scan3A_69 = arith.constant 512 : i32
      %scan3A_70 = arith.addi %scan3A_68, %scan3A_69 : i32
      %scan3A_71 = arith.constant 1 : i32
      %scan3A_72 = scf.for %scan3A_74 = %scan3A_68 to %scan3A_70 step %scan3A_71 iter_args(%scan3A_75 = %scan3A_67) -> (i32)  : i32 {
        %mul3A_76 = arith.constant 16 : i32
        %mul3A_77 = arith.muli %scan3A_74, %mul3A_76 : i32
        %get3A = arith.index_cast %mul3A_77 : i32 to index
        %get3A_78 = tpu.vector_load %arg32[%get3A] {strides = array<i32>} : memref<8192xi32, #tpu.memory_space<vmem>>, vector<16xi32>,
        %gather3A = tpu.vector_load_idx %arg29[%get3A_78] : memref<50000xi32, #tpu.memory_space<vmem>>[vector<16xi32>], vector<16xi32>,
        %mul3A_79 = arith.constant 16 : i32
        %mul3A_80 = arith.muli %scan3A_74, %mul3A_79 : i32
        %swap3A = arith.index_cast %mul3A_80 : i32 to index
        %swap3A_81 = tpu.vector_load %arg33[%swap3A] {strides = array<i32>} : memref<8192xi32, #tpu.memory_space<vmem>>, vector<16xi32>,
        tpu.vector_store %arg33[%swap3A], %gather3A {strides = array<i32>} : memref<8192xi32, #tpu.memory_space<vmem>>, vector<16xi32>,
        %scan3A_82 = arith.constant 0 : i32
        scf.yield %scan3A_82 : i32
      }
      %scan3A_73 = arith.constant 512 : i32
      "tpu.region"() ({
        %run_scoped3A = tpu.sem_alloc : memref<!tpu.dma_semaphore, #tpu.memory_space<semaphore_mem>>
        %dma_start3A_74 = arith.constant 0 : i32
        %dma_start3A_75 = tpu.memref_slice %arg18[%select_n3A, %dma_start3A_74] : memref<4x8192xi32, #tpu.memory_space<hbm>> -> memref<1x8192xi32, #tpu.memory_space<hbm>>
        %dma_start3A_76 = tpu.memref_squeeze %dma_start3A_75 : memref<1x8192xi32, #tpu.memory_space<hbm>> -> memref<8192xi32, #tpu.memory_space<hbm>>
        %dma_start3A_77 = arith.constant 0 : i32
        %dma_start3A_78 = tpu.memref_slice %arg18[%select_n3A, %dma_start3A_77] : memref<4x8192xi32, #tpu.memory_space<hbm>> -> memref<1x8192xi32, #tpu.memory_space<hbm>>
        %dma_start3A_79 = tpu.memref_squeeze %dma_start3A_78 : memref<1x8192xi32, #tpu.memory_space<hbm>> -> memref<8192xi32, #tpu.memory_space<hbm>>
        tpu.enqueue_dma source(%arg33 : memref<8192xi32, #tpu.memory_space<vmem>>) target(%dma_start3A_79 : memref<8192xi32, #tpu.memory_space<hbm>>) target_semaphore(%run_scoped3A : memref<!tpu.dma_semaphore, #tpu.memory_space<semaphore_mem>>)
        %dma_wait3A_80 = arith.constant 0 : i32
        %dma_wait3A_81 = tpu.memref_slice %arg18[%select_n3A, %dma_wait3A_80] : memref<4x8192xi32, #tpu.memory_space<hbm>> -> memref<1x8192xi32, #tpu.memory_space<hbm>>
        %dma_wait3A_82 = tpu.memref_squeeze %dma_wait3A_81 : memref<1x8192xi32, #tpu.memory_space<hbm>> -> memref<8192xi32, #tpu.memory_space<hbm>>
        %dma_wait3A_83 = arith.constant 0 : i32
        %dma_wait3A_84 = tpu.memref_slice %arg18[%select_n3A, %dma_wait3A_83] : memref<4x8192xi32, #tpu.memory_space<hbm>> -> memref<1x8192xi32, #tpu.memory_space<hbm>>
        %dma_wait3A_85 = tpu.memref_squeeze %dma_wait3A_84 : memref<1x8192xi32, #tpu.memory_space<hbm>> -> memref<8192xi32, #tpu.memory_space<hbm>>
        tpu.wait_dma2 semaphore(%run_scoped3A : memref<!tpu.dma_semaphore, #tpu.memory_space<semaphore_mem>>) src(%arg33 : memref<8192xi32, #tpu.memory_space<vmem>>) dst(%dma_wait3A_85 : memref<8192xi32, #tpu.memory_space<hbm>>)
        tpu.yield
      }) : () -> ()
    } else {
    }
    %eq3A_11 = arith.constant 1 : i32
    %eq3A_12 = arith.cmpi eq, %add3A, %eq3A_11 : i32
    %convert_element_type3A_13 = arith.extui %eq3A_12 : i1 to i32
    %cond3A_14 = arith.constant 0 : i32
    %cond3A_15 = arith.cmpi ne, %convert_element_type3A_13, %cond3A_14 : i32
    scf.if %cond3A_15 {
      %scan3A = arith.constant 0 : i32
      %scan3A_49 = arith.constant 0 : i32
      %scan3A_50 = arith.constant 3125 : i32
      %scan3A_51 = arith.addi %scan3A_49, %scan3A_50 : i32
      %scan3A_52 = arith.constant 1 : i32
      %scan3A_53 = scf.for %scan3A_69 = %scan3A_49 to %scan3A_51 step %scan3A_52 iter_args(%scan3A_70 = %scan3A) -> (i32)  : i32 {
        %broadcast_in_dim3A = arith.constant 0 : i32
        %broadcast_in_dim3A_71 = vector.broadcast %broadcast_in_dim3A : i32 to vector<16xi32>
        %mul3A_72 = arith.constant 16 : i32
        %mul3A_73 = arith.muli %scan3A_69, %mul3A_72 : i32
        %swap3A = arith.index_cast %mul3A_73 : i32 to index
        %swap3A_74 = tpu.vector_load %arg29[%swap3A] {strides = array<i32>} : memref<50000xi32, #tpu.memory_space<vmem>>, vector<16xi32>,
        tpu.vector_store %arg29[%swap3A], %broadcast_in_dim3A_71 {strides = array<i32>} : memref<50000xi32, #tpu.memory_space<vmem>>, vector<16xi32>,
        %scan3A_75 = arith.constant 0 : i32
        scf.yield %scan3A_75 : i32
      }
      %scan3A_54 = arith.constant 3125 : i32
      "tpu.region"() ({
        %run_scoped3A = tpu.sem_alloc : memref<!tpu.dma_semaphore, #tpu.memory_space<semaphore_mem>>
        tpu.enqueue_dma source(%arg12 : memref<1024xi32, #tpu.memory_space<hbm>>) target(%arg31 : memref<1024xi32, #tpu.memory_space<vmem>>) target_semaphore(%run_scoped3A : memref<!tpu.dma_semaphore, #tpu.memory_space<semaphore_mem>>)
        tpu.wait_dma2 semaphore(%run_scoped3A : memref<!tpu.dma_semaphore, #tpu.memory_space<semaphore_mem>>) src(%arg12 : memref<1024xi32, #tpu.memory_space<hbm>>) dst(%arg31 : memref<1024xi32, #tpu.memory_space<vmem>>)
        tpu.yield
      }) : () -> ()
      %scan3A_55 = arith.constant 0 : i32
      %scan3A_56 = arith.constant 0 : i32
      %scan3A_57 = arith.constant 64 : i32
      %scan3A_58 = arith.addi %scan3A_56, %scan3A_57 : i32
      %scan3A_59 = arith.constant 1 : i32
      %scan3A_60 = scf.for %scan3A_69 = %scan3A_56 to %scan3A_58 step %scan3A_59 iter_args(%scan3A_70 = %scan3A_55) -> (i32)  : i32 {
        %mul3A_71 = arith.constant 16 : i32
        %mul3A_72 = arith.muli %scan3A_69, %mul3A_71 : i32
        %get3A = arith.index_cast %mul3A_72 : i32 to index
        %get3A_73 = tpu.vector_load %arg31[%get3A] {strides = array<i32>} : memref<1024xi32, #tpu.memory_space<vmem>>, vector<16xi32>,
        %broadcast_in_dim3A = arith.constant 1 : i32
        %broadcast_in_dim3A_74 = vector.broadcast %broadcast_in_dim3A : i32 to vector<16xi32>
        tpu.vector_store_idx %arg29[%get3A_73], %broadcast_in_dim3A_74 : memref<50000xi32, #tpu.memory_space<vmem>>[vector<16xi32>], vector<16xi32>,
        %scan3A_75 = arith.constant 0 : i32
        scf.yield %scan3A_75 : i32
      }
      %scan3A_61 = arith.constant 64 : i32
      "tpu.region"() ({
        %run_scoped3A = tpu.sem_alloc : memref<!tpu.dma_semaphore, #tpu.memory_space<semaphore_mem>>
        tpu.enqueue_dma source(%arg10 : memref<2048xi32, #tpu.memory_space<hbm>>) target(%arg30 : memref<2048xi32, #tpu.memory_space<vmem>>) target_semaphore(%run_scoped3A : memref<!tpu.dma_semaphore, #tpu.memory_space<semaphore_mem>>)
        tpu.wait_dma2 semaphore(%run_scoped3A : memref<!tpu.dma_semaphore, #tpu.memory_space<semaphore_mem>>) src(%arg10 : memref<2048xi32, #tpu.memory_space<hbm>>) dst(%arg30 : memref<2048xi32, #tpu.memory_space<vmem>>)
        tpu.yield
      }) : () -> ()
      %scan3A_62 = arith.constant 0 : i32
      %scan3A_63 = arith.constant 0 : i32
      %scan3A_64 = arith.constant 128 : i32
      %scan3A_65 = arith.addi %scan3A_63, %scan3A_64 : i32
      %scan3A_66 = arith.constant 1 : i32
      %scan3A_67 = scf.for %scan3A_69 = %scan3A_63 to %scan3A_65 step %scan3A_66 iter_args(%scan3A_70 = %scan3A_62) -> (i32)  : i32 {
        %mul3A_71 = arith.constant 16 : i32
        %mul3A_72 = arith.muli %scan3A_69, %mul3A_71 : i32
        %get3A = arith.index_cast %mul3A_72 : i32 to index
        %get3A_73 = tpu.vector_load %arg30[%get3A] {strides = array<i32>} : memref<2048xi32, #tpu.memory_space<vmem>>, vector<16xi32>,
        %gather3A = tpu.vector_load_idx %arg29[%get3A_73] : memref<50000xi32, #tpu.memory_space<vmem>>[vector<16xi32>], vector<16xi32>,
        %mul3A_74 = arith.constant 16 : i32
        %mul3A_75 = arith.muli %scan3A_69, %mul3A_74 : i32
        %swap3A = arith.index_cast %mul3A_75 : i32 to index
        %swap3A_76 = tpu.vector_load %arg33[%swap3A] {strides = array<i32>} : memref<8192xi32, #tpu.memory_space<vmem>>, vector<16xi32>,
        tpu.vector_store %arg33[%swap3A], %gather3A {strides = array<i32>} : memref<8192xi32, #tpu.memory_space<vmem>>, vector<16xi32>,
        %scan3A_77 = arith.constant 0 : i32
        scf.yield %scan3A_77 : i32
      }
      %scan3A_68 = arith.constant 128 : i32
      "tpu.region"() ({
        %run_scoped3A = tpu.sem_alloc : memref<!tpu.dma_semaphore, #tpu.memory_space<semaphore_mem>>
        %dma_start3A_69 = arith.constant 0 : i32
        %dma_start3A_70 = tpu.memref_slice %arg33[%dma_start3A_69] : memref<8192xi32, #tpu.memory_space<vmem>> -> memref<2048xi32, #tpu.memory_space<vmem>>
        %dma_start3A_71 = arith.constant 0 : i32
        %dma_start3A_72 = tpu.memref_slice %arg33[%dma_start3A_71] : memref<8192xi32, #tpu.memory_space<vmem>> -> memref<2048xi32, #tpu.memory_space<vmem>>
        tpu.enqueue_dma source(%dma_start3A_72 : memref<2048xi32, #tpu.memory_space<vmem>>) target(%arg19 : memref<2048xi32, #tpu.memory_space<hbm>>) target_semaphore(%run_scoped3A : memref<!tpu.dma_semaphore, #tpu.memory_space<semaphore_mem>>)
        %dma_wait3A_73 = arith.constant 0 : i32
        %dma_wait3A_74 = tpu.memref_slice %arg33[%dma_wait3A_73] : memref<8192xi32, #tpu.memory_space<vmem>> -> memref<2048xi32, #tpu.memory_space<vmem>>
        %dma_wait3A_75 = arith.constant 0 : i32
        %dma_wait3A_76 = tpu.memref_slice %arg33[%dma_wait3A_75] : memref<8192xi32, #tpu.memory_space<vmem>> -> memref<2048xi32, #tpu.memory_space<vmem>>
        tpu.wait_dma2 semaphore(%run_scoped3A : memref<!tpu.dma_semaphore, #tpu.memory_space<semaphore_mem>>) src(%dma_wait3A_76 : memref<2048xi32, #tpu.memory_space<vmem>>) dst(%arg19 : memref<2048xi32, #tpu.memory_space<hbm>>)
        tpu.yield
      }) : () -> ()
    } else {
    }
    %eq3A_16 = arith.constant 2 : i32
    %eq3A_17 = arith.cmpi eq, %add3A, %eq3A_16 : i32
    %convert_element_type3A_18 = arith.extui %eq3A_17 : i1 to i32
    %cond3A_19 = arith.constant 0 : i32
    %cond3A_20 = arith.cmpi ne, %convert_element_type3A_18, %cond3A_19 : i32
    scf.if %cond3A_20 {
      %scan3A = arith.constant 0 : i32
      %scan3A_49 = arith.constant 0 : i32
      %scan3A_50 = arith.constant 3125 : i32
      %scan3A_51 = arith.addi %scan3A_49, %scan3A_50 : i32
      %scan3A_52 = arith.constant 1 : i32
      %scan3A_53 = scf.for %scan3A_69 = %scan3A_49 to %scan3A_51 step %scan3A_52 iter_args(%scan3A_70 = %scan3A) -> (i32)  : i32 {
        %broadcast_in_dim3A = arith.constant 0 : i32
        %broadcast_in_dim3A_71 = vector.broadcast %broadcast_in_dim3A : i32 to vector<16xi32>
        %mul3A_72 = arith.constant 16 : i32
        %mul3A_73 = arith.muli %scan3A_69, %mul3A_72 : i32
        %swap3A = arith.index_cast %mul3A_73 : i32 to index
        %swap3A_74 = tpu.vector_load %arg29[%swap3A] {strides = array<i32>} : memref<50000xi32, #tpu.memory_space<vmem>>, vector<16xi32>,
        tpu.vector_store %arg29[%swap3A], %broadcast_in_dim3A_71 {strides = array<i32>} : memref<50000xi32, #tpu.memory_space<vmem>>, vector<16xi32>,
        %scan3A_75 = arith.constant 0 : i32
        scf.yield %scan3A_75 : i32
      }
      %scan3A_54 = arith.constant 3125 : i32
      "tpu.region"() ({
        %run_scoped3A = tpu.sem_alloc : memref<!tpu.dma_semaphore, #tpu.memory_space<semaphore_mem>>
        tpu.enqueue_dma source(%arg13 : memref<1024xi32, #tpu.memory_space<hbm>>) target(%arg31 : memref<1024xi32, #tpu.memory_space<vmem>>) target_semaphore(%run_scoped3A : memref<!tpu.dma_semaphore, #tpu.memory_space<semaphore_mem>>)
        tpu.wait_dma2 semaphore(%run_scoped3A : memref<!tpu.dma_semaphore, #tpu.memory_space<semaphore_mem>>) src(%arg13 : memref<1024xi32, #tpu.memory_space<hbm>>) dst(%arg31 : memref<1024xi32, #tpu.memory_space<vmem>>)
        tpu.yield
      }) : () -> ()
      %scan3A_55 = arith.constant 0 : i32
      %scan3A_56 = arith.constant 0 : i32
      %scan3A_57 = arith.constant 64 : i32
      %scan3A_58 = arith.addi %scan3A_56, %scan3A_57 : i32
      %scan3A_59 = arith.constant 1 : i32
      %scan3A_60 = scf.for %scan3A_69 = %scan3A_56 to %scan3A_58 step %scan3A_59 iter_args(%scan3A_70 = %scan3A_55) -> (i32)  : i32 {
        %mul3A_71 = arith.constant 16 : i32
        %mul3A_72 = arith.muli %scan3A_69, %mul3A_71 : i32
        %get3A = arith.index_cast %mul3A_72 : i32 to index
        %get3A_73 = tpu.vector_load %arg31[%get3A] {strides = array<i32>} : memref<1024xi32, #tpu.memory_space<vmem>>, vector<16xi32>,
        %broadcast_in_dim3A = arith.constant 1 : i32
        %broadcast_in_dim3A_74 = vector.broadcast %broadcast_in_dim3A : i32 to vector<16xi32>
        tpu.vector_store_idx %arg29[%get3A_73], %broadcast_in_dim3A_74 : memref<50000xi32, #tpu.memory_space<vmem>>[vector<16xi32>], vector<16xi32>,
        %scan3A_75 = arith.constant 0 : i32
        scf.yield %scan3A_75 : i32
      }
      %scan3A_61 = arith.constant 64 : i32
      "tpu.region"() ({
        %run_scoped3A = tpu.sem_alloc : memref<!tpu.dma_semaphore, #tpu.memory_space<semaphore_mem>>
        tpu.enqueue_dma source(%arg10 : memref<2048xi32, #tpu.memory_space<hbm>>) target(%arg30 : memref<2048xi32, #tpu.memory_space<vmem>>) target_semaphore(%run_scoped3A : memref<!tpu.dma_semaphore, #tpu.memory_space<semaphore_mem>>)
        tpu.wait_dma2 semaphore(%run_scoped3A : memref<!tpu.dma_semaphore, #tpu.memory_space<semaphore_mem>>) src(%arg10 : memref<2048xi32, #tpu.memory_space<hbm>>) dst(%arg30 : memref<2048xi32, #tpu.memory_space<vmem>>)
        tpu.yield
      }) : () -> ()
      %scan3A_62 = arith.constant 0 : i32
      %scan3A_63 = arith.constant 0 : i32
      %scan3A_64 = arith.constant 128 : i32
      %scan3A_65 = arith.addi %scan3A_63, %scan3A_64 : i32
      %scan3A_66 = arith.constant 1 : i32
      %scan3A_67 = scf.for %scan3A_69 = %scan3A_63 to %scan3A_65 step %scan3A_66 iter_args(%scan3A_70 = %scan3A_62) -> (i32)  : i32 {
        %mul3A_71 = arith.constant 16 : i32
        %mul3A_72 = arith.muli %scan3A_69, %mul3A_71 : i32
        %get3A = arith.index_cast %mul3A_72 : i32 to index
        %get3A_73 = tpu.vector_load %arg30[%get3A] {strides = array<i32>} : memref<2048xi32, #tpu.memory_space<vmem>>, vector<16xi32>,
        %gather3A = tpu.vector_load_idx %arg29[%get3A_73] : memref<50000xi32, #tpu.memory_space<vmem>>[vector<16xi32>], vector<16xi32>,
        %mul3A_74 = arith.constant 16 : i32
        %mul3A_75 = arith.muli %scan3A_69, %mul3A_74 : i32
        %swap3A = arith.index_cast %mul3A_75 : i32 to index
        %swap3A_76 = tpu.vector_load %arg33[%swap3A] {strides = array<i32>} : memref<8192xi32, #tpu.memory_space<vmem>>, vector<16xi32>,
        tpu.vector_store %arg33[%swap3A], %gather3A {strides = array<i32>} : memref<8192xi32, #tpu.memory_space<vmem>>, vector<16xi32>,
        %scan3A_77 = arith.constant 0 : i32
        scf.yield %scan3A_77 : i32
      }
      %scan3A_68 = arith.constant 128 : i32
      "tpu.region"() ({
        %run_scoped3A = tpu.sem_alloc : memref<!tpu.dma_semaphore, #tpu.memory_space<semaphore_mem>>
        %dma_start3A_69 = arith.constant 0 : i32
        %dma_start3A_70 = tpu.memref_slice %arg33[%dma_start3A_69] : memref<8192xi32, #tpu.memory_space<vmem>> -> memref<2048xi32, #tpu.memory_space<vmem>>
        %dma_start3A_71 = arith.constant 0 : i32
        %dma_start3A_72 = tpu.memref_slice %arg33[%dma_start3A_71] : memref<8192xi32, #tpu.memory_space<vmem>> -> memref<2048xi32, #tpu.memory_space<vmem>>
        tpu.enqueue_dma source(%dma_start3A_72 : memref<2048xi32, #tpu.memory_space<vmem>>) target(%arg20 : memref<2048xi32, #tpu.memory_space<hbm>>) target_semaphore(%run_scoped3A : memref<!tpu.dma_semaphore, #tpu.memory_space<semaphore_mem>>)
        %dma_wait3A_73 = arith.constant 0 : i32
        %dma_wait3A_74 = tpu.memref_slice %arg33[%dma_wait3A_73] : memref<8192xi32, #tpu.memory_space<vmem>> -> memref<2048xi32, #tpu.memory_space<vmem>>
        %dma_wait3A_75 = arith.constant 0 : i32
        %dma_wait3A_76 = tpu.memref_slice %arg33[%dma_wait3A_75] : memref<8192xi32, #tpu.memory_space<vmem>> -> memref<2048xi32, #tpu.memory_space<vmem>>
        tpu.wait_dma2 semaphore(%run_scoped3A : memref<!tpu.dma_semaphore, #tpu.memory_space<semaphore_mem>>) src(%dma_wait3A_76 : memref<2048xi32, #tpu.memory_space<vmem>>) dst(%arg20 : memref<2048xi32, #tpu.memory_space<hbm>>)
        tpu.yield
      }) : () -> ()
    } else {
    }
    %mul3A_21 = arith.constant 80 : i32
    %mul3A_22 = arith.muli %add3A, %mul3A_21 : i32
    %mul3A_23 = arith.constant 64 : i32
    %mul3A_24 = arith.muli %add3A, %mul3A_23 : i32
    %mul3A_25 = arith.constant 128 : i32
    %mul3A_26 = arith.muli %add3A, %mul3A_25 : i32
    %mul3A_27 = arith.constant 136 : i32
    %mul3A_28 = arith.muli %add3A, %mul3A_27 : i32
    "tpu.region"() ({
      %run_scoped3A = tpu.sem_alloc : memref<!tpu.dma_semaphore, #tpu.memory_space<semaphore_mem>>
      %dma_start3A_49 = tpu.memref_slice %arg6[%mul3A_22] : memref<2560xi32, #tpu.memory_space<hbm>> -> memref<80xi32, #tpu.memory_space<hbm>>
      %dma_start3A_50 = tpu.memref_slice %arg6[%mul3A_22] : memref<2560xi32, #tpu.memory_space<hbm>> -> memref<80xi32, #tpu.memory_space<hbm>>
      tpu.enqueue_dma source(%dma_start3A_50 : memref<80xi32, #tpu.memory_space<hbm>>) target(%arg21 : memref<80xi32, #tpu.memory_space<vmem>>) target_semaphore(%run_scoped3A : memref<!tpu.dma_semaphore, #tpu.memory_space<semaphore_mem>>)
      %dma_wait3A_51 = tpu.memref_slice %arg6[%mul3A_22] : memref<2560xi32, #tpu.memory_space<hbm>> -> memref<80xi32, #tpu.memory_space<hbm>>
      %dma_wait3A_52 = tpu.memref_slice %arg6[%mul3A_22] : memref<2560xi32, #tpu.memory_space<hbm>> -> memref<80xi32, #tpu.memory_space<hbm>>
      tpu.wait_dma2 semaphore(%run_scoped3A : memref<!tpu.dma_semaphore, #tpu.memory_space<semaphore_mem>>) src(%dma_wait3A_52 : memref<80xi32, #tpu.memory_space<hbm>>) dst(%arg21 : memref<80xi32, #tpu.memory_space<vmem>>)
      tpu.yield
    }) : () -> ()
    "tpu.region"() ({
      %run_scoped3A = tpu.sem_alloc : memref<!tpu.dma_semaphore, #tpu.memory_space<semaphore_mem>>
      %dma_start3A_49 = tpu.memref_slice %arg7[%mul3A_24] : memref<2048xi32, #tpu.memory_space<hbm>> -> memref<64xi32, #tpu.memory_space<hbm>>
      %dma_start3A_50 = tpu.memref_slice %arg7[%mul3A_24] : memref<2048xi32, #tpu.memory_space<hbm>> -> memref<64xi32, #tpu.memory_space<hbm>>
      tpu.enqueue_dma source(%dma_start3A_50 : memref<64xi32, #tpu.memory_space<hbm>>) target(%arg22 : memref<64xi32, #tpu.memory_space<vmem>>) target_semaphore(%run_scoped3A : memref<!tpu.dma_semaphore, #tpu.memory_space<semaphore_mem>>)
      %dma_wait3A_51 = tpu.memref_slice %arg7[%mul3A_24] : memref<2048xi32, #tpu.memory_space<hbm>> -> memref<64xi32, #tpu.memory_space<hbm>>
      %dma_wait3A_52 = tpu.memref_slice %arg7[%mul3A_24] : memref<2048xi32, #tpu.memory_space<hbm>> -> memref<64xi32, #tpu.memory_space<hbm>>
      tpu.wait_dma2 semaphore(%run_scoped3A : memref<!tpu.dma_semaphore, #tpu.memory_space<semaphore_mem>>) src(%dma_wait3A_52 : memref<64xi32, #tpu.memory_space<hbm>>) dst(%arg22 : memref<64xi32, #tpu.memory_space<vmem>>)
      tpu.yield
    }) : () -> ()
    "tpu.region"() ({
      %run_scoped3A = tpu.sem_alloc : memref<!tpu.dma_semaphore, #tpu.memory_space<semaphore_mem>>
      %dma_start3A_49 = tpu.memref_slice %arg8[%mul3A_26] : memref<4096xi32, #tpu.memory_space<hbm>> -> memref<128xi32, #tpu.memory_space<hbm>>
      %dma_start3A_50 = tpu.memref_slice %arg8[%mul3A_26] : memref<4096xi32, #tpu.memory_space<hbm>> -> memref<128xi32, #tpu.memory_space<hbm>>
      tpu.enqueue_dma source(%dma_start3A_50 : memref<128xi32, #tpu.memory_space<hbm>>) target(%arg23 : memref<128xi32, #tpu.memory_space<vmem>>) target_semaphore(%run_scoped3A : memref<!tpu.dma_semaphore, #tpu.memory_space<semaphore_mem>>)
      %dma_wait3A_51 = tpu.memref_slice %arg8[%mul3A_26] : memref<4096xi32, #tpu.memory_space<hbm>> -> memref<128xi32, #tpu.memory_space<hbm>>
      %dma_wait3A_52 = tpu.memref_slice %arg8[%mul3A_26] : memref<4096xi32, #tpu.memory_space<hbm>> -> memref<128xi32, #tpu.memory_space<hbm>>
      tpu.wait_dma2 semaphore(%run_scoped3A : memref<!tpu.dma_semaphore, #tpu.memory_space<semaphore_mem>>) src(%dma_wait3A_52 : memref<128xi32, #tpu.memory_space<hbm>>) dst(%arg23 : memref<128xi32, #tpu.memory_space<vmem>>)
      tpu.yield
    }) : () -> ()
    "tpu.region"() ({
      %run_scoped3A = tpu.sem_alloc : memref<!tpu.dma_semaphore, #tpu.memory_space<semaphore_mem>>
      %dma_start3A_49 = tpu.memref_slice %arg9[%mul3A_28] : memref<4352xi32, #tpu.memory_space<hbm>> -> memref<136xi32, #tpu.memory_space<hbm>>
      %dma_start3A_50 = tpu.memref_slice %arg9[%mul3A_28] : memref<4352xi32, #tpu.memory_space<hbm>> -> memref<136xi32, #tpu.memory_space<hbm>>
      tpu.enqueue_dma source(%dma_start3A_50 : memref<136xi32, #tpu.memory_space<hbm>>) target(%arg24 : memref<136xi32, #tpu.memory_space<vmem>>) target_semaphore(%run_scoped3A : memref<!tpu.dma_semaphore, #tpu.memory_space<semaphore_mem>>)
      %dma_wait3A_51 = tpu.memref_slice %arg9[%mul3A_28] : memref<4352xi32, #tpu.memory_space<hbm>> -> memref<136xi32, #tpu.memory_space<hbm>>
      %dma_wait3A_52 = tpu.memref_slice %arg9[%mul3A_28] : memref<4352xi32, #tpu.memory_space<hbm>> -> memref<136xi32, #tpu.memory_space<hbm>>
      tpu.wait_dma2 semaphore(%run_scoped3A : memref<!tpu.dma_semaphore, #tpu.memory_space<semaphore_mem>>) src(%dma_wait3A_52 : memref<136xi32, #tpu.memory_space<hbm>>) dst(%arg24 : memref<136xi32, #tpu.memory_space<vmem>>)
      tpu.yield
    }) : () -> ()
    %dma_start3A = arith.constant 0 : i32
    %dma_start3A_29 = arith.constant 0 : i32
    %dma_start3A_30 = tpu.memref_slice %arg2[%dma_start3A, %dma_start3A_29] : memref<50000x32xf32, #tpu.memory_space<hbm>> -> memref<50000x32xf32, #tpu.memory_space<hbm>>
    tpu.enqueue_indirect_dma source(%dma_start3A_30 : memref<50000x32xf32, #tpu.memory_space<hbm>>) target(%arg25 : memref<80x32xf32, #tpu.memory_space<vmem>>) offsets(%arg21 : memref<80xi32, #tpu.memory_space<vmem>>) semaphore(%arg34 : memref<!tpu.dma_semaphore, #tpu.memory_space<semaphore_mem>>)
    %dma_start3A_31 = arith.constant 0 : i32
    %dma_start3A_32 = arith.constant 0 : i32
    %dma_start3A_33 = tpu.memref_slice %arg3[%dma_start3A_31, %dma_start3A_32] : memref<50000x32xf32, #tpu.memory_space<hbm>> -> memref<50000x32xf32, #tpu.memory_space<hbm>>
    tpu.enqueue_indirect_dma source(%dma_start3A_33 : memref<50000x32xf32, #tpu.memory_space<hbm>>) target(%arg26 : memref<64x32xf32, #tpu.memory_space<vmem>>) offsets(%arg22 : memref<64xi32, #tpu.memory_space<vmem>>) semaphore(%arg34 : memref<!tpu.dma_semaphore, #tpu.memory_space<semaphore_mem>>)
    %dma_start3A_34 = arith.constant 0 : i32
    %dma_start3A_35 = arith.constant 0 : i32
    %dma_start3A_36 = tpu.memref_slice %arg4[%dma_start3A_34, %dma_start3A_35] : memref<100000x32xf32, #tpu.memory_space<hbm>> -> memref<100000x32xf32, #tpu.memory_space<hbm>>
    tpu.enqueue_indirect_dma source(%dma_start3A_36 : memref<100000x32xf32, #tpu.memory_space<hbm>>) target(%arg27 : memref<128x32xf32, #tpu.memory_space<vmem>>) offsets(%arg23 : memref<128xi32, #tpu.memory_space<vmem>>) semaphore(%arg34 : memref<!tpu.dma_semaphore, #tpu.memory_space<semaphore_mem>>)
    %dma_start3A_37 = arith.constant 0 : i32
    %dma_start3A_38 = tpu.memref_slice %arg5[%dma_start3A_37] : memref<100000xf32, #tpu.memory_space<hbm>> -> memref<100000xf32, #tpu.memory_space<hbm>>
    tpu.enqueue_indirect_dma source(%dma_start3A_38 : memref<100000xf32, #tpu.memory_space<hbm>>) target(%arg28 : memref<136xf32, #tpu.memory_space<vmem>>) offsets(%arg24 : memref<136xi32, #tpu.memory_space<vmem>>) semaphore(%arg34 : memref<!tpu.dma_semaphore, #tpu.memory_space<semaphore_mem>>)
    %dma_wait3A = arith.constant 0 : i32
    %dma_wait3A_39 = arith.constant 0 : i32
    %dma_wait3A_40 = tpu.memref_slice %arg2[%dma_wait3A, %dma_wait3A_39] : memref<50000x32xf32, #tpu.memory_space<hbm>> -> memref<50000x32xf32, #tpu.memory_space<hbm>>
    tpu.wait_indirect_dma semaphore(%arg34 : memref<!tpu.dma_semaphore, #tpu.memory_space<semaphore_mem>>) src(%dma_wait3A_40 : memref<50000x32xf32, #tpu.memory_space<hbm>>) dst(%arg25 : memref<80x32xf32, #tpu.memory_space<vmem>>)
    %dma_wait3A_41 = arith.constant 0 : i32
    %dma_wait3A_42 = arith.constant 0 : i32
    %dma_wait3A_43 = tpu.memref_slice %arg3[%dma_wait3A_41, %dma_wait3A_42] : memref<50000x32xf32, #tpu.memory_space<hbm>> -> memref<50000x32xf32, #tpu.memory_space<hbm>>
    tpu.wait_indirect_dma semaphore(%arg34 : memref<!tpu.dma_semaphore, #tpu.memory_space<semaphore_mem>>) src(%dma_wait3A_43 : memref<50000x32xf32, #tpu.memory_space<hbm>>) dst(%arg26 : memref<64x32xf32, #tpu.memory_space<vmem>>)
    %dma_wait3A_44 = arith.constant 0 : i32
    %dma_wait3A_45 = arith.constant 0 : i32
    %dma_wait3A_46 = tpu.memref_slice %arg4[%dma_wait3A_44, %dma_wait3A_45] : memref<100000x32xf32, #tpu.memory_space<hbm>> -> memref<100000x32xf32, #tpu.memory_space<hbm>>
    tpu.wait_indirect_dma semaphore(%arg34 : memref<!tpu.dma_semaphore, #tpu.memory_space<semaphore_mem>>) src(%dma_wait3A_46 : memref<100000x32xf32, #tpu.memory_space<hbm>>) dst(%arg27 : memref<128x32xf32, #tpu.memory_space<vmem>>)
    %dma_wait3A_47 = arith.constant 0 : i32
    %dma_wait3A_48 = tpu.memref_slice %arg5[%dma_wait3A_47] : memref<100000xf32, #tpu.memory_space<hbm>> -> memref<100000xf32, #tpu.memory_space<hbm>>
    tpu.wait_indirect_dma semaphore(%arg34 : memref<!tpu.dma_semaphore, #tpu.memory_space<semaphore_mem>>) src(%dma_wait3A_48 : memref<100000xf32, #tpu.memory_space<hbm>>) dst(%arg28 : memref<136xf32, #tpu.memory_space<vmem>>)
    "tpu.region"() ({
      %run_scoped3A = tpu.sem_alloc : memref<!tpu.dma_semaphore, #tpu.memory_space<semaphore_mem>>
      %dma_start3A_49 = arith.constant 0 : i32
      %dma_start3A_50 = tpu.memref_slice %arg14[%mul3A_22, %dma_start3A_49] : memref<2560x32xf32, #tpu.memory_space<hbm>> -> memref<80x32xf32, #tpu.memory_space<hbm>>
      %dma_start3A_51 = arith.constant 0 : i32
      %dma_start3A_52 = tpu.memref_slice %arg14[%mul3A_22, %dma_start3A_51] : memref<2560x32xf32, #tpu.memory_space<hbm>> -> memref<80x32xf32, #tpu.memory_space<hbm>>
      tpu.enqueue_dma source(%arg25 : memref<80x32xf32, #tpu.memory_space<vmem>>) target(%dma_start3A_52 : memref<80x32xf32, #tpu.memory_space<hbm>>) target_semaphore(%run_scoped3A : memref<!tpu.dma_semaphore, #tpu.memory_space<semaphore_mem>>)
      %dma_wait3A_53 = arith.constant 0 : i32
      %dma_wait3A_54 = tpu.memref_slice %arg14[%mul3A_22, %dma_wait3A_53] : memref<2560x32xf32, #tpu.memory_space<hbm>> -> memref<80x32xf32, #tpu.memory_space<hbm>>
      %dma_wait3A_55 = arith.constant 0 : i32
      %dma_wait3A_56 = tpu.memref_slice %arg14[%mul3A_22, %dma_wait3A_55] : memref<2560x32xf32, #tpu.memory_space<hbm>> -> memref<80x32xf32, #tpu.memory_space<hbm>>
      tpu.wait_dma2 semaphore(%run_scoped3A : memref<!tpu.dma_semaphore, #tpu.memory_space<semaphore_mem>>) src(%arg25 : memref<80x32xf32, #tpu.memory_space<vmem>>) dst(%dma_wait3A_56 : memref<80x32xf32, #tpu.memory_space<hbm>>)
      tpu.yield
    }) : () -> ()
    "tpu.region"() ({
      %run_scoped3A = tpu.sem_alloc : memref<!tpu.dma_semaphore, #tpu.memory_space<semaphore_mem>>
      %dma_start3A_49 = arith.constant 0 : i32
      %dma_start3A_50 = tpu.memref_slice %arg15[%mul3A_24, %dma_start3A_49] : memref<2048x32xf32, #tpu.memory_space<hbm>> -> memref<64x32xf32, #tpu.memory_space<hbm>>
      %dma_start3A_51 = arith.constant 0 : i32
      %dma_start3A_52 = tpu.memref_slice %arg15[%mul3A_24, %dma_start3A_51] : memref<2048x32xf32, #tpu.memory_space<hbm>> -> memref<64x32xf32, #tpu.memory_space<hbm>>
      tpu.enqueue_dma source(%arg26 : memref<64x32xf32, #tpu.memory_space<vmem>>) target(%dma_start3A_52 : memref<64x32xf32, #tpu.memory_space<hbm>>) target_semaphore(%run_scoped3A : memref<!tpu.dma_semaphore, #tpu.memory_space<semaphore_mem>>)
      %dma_wait3A_53 = arith.constant 0 : i32
      %dma_wait3A_54 = tpu.memref_slice %arg15[%mul3A_24, %dma_wait3A_53] : memref<2048x32xf32, #tpu.memory_space<hbm>> -> memref<64x32xf32, #tpu.memory_space<hbm>>
      %dma_wait3A_55 = arith.constant 0 : i32
      %dma_wait3A_56 = tpu.memref_slice %arg15[%mul3A_24, %dma_wait3A_55] : memref<2048x32xf32, #tpu.memory_space<hbm>> -> memref<64x32xf32, #tpu.memory_space<hbm>>
      tpu.wait_dma2 semaphore(%run_scoped3A : memref<!tpu.dma_semaphore, #tpu.memory_space<semaphore_mem>>) src(%arg26 : memref<64x32xf32, #tpu.memory_space<vmem>>) dst(%dma_wait3A_56 : memref<64x32xf32, #tpu.memory_space<hbm>>)
      tpu.yield
    }) : () -> ()
    "tpu.region"() ({
      %run_scoped3A = tpu.sem_alloc : memref<!tpu.dma_semaphore, #tpu.memory_space<semaphore_mem>>
      %dma_start3A_49 = arith.constant 0 : i32
      %dma_start3A_50 = tpu.memref_slice %arg16[%mul3A_26, %dma_start3A_49] : memref<4096x32xf32, #tpu.memory_space<hbm>> -> memref<128x32xf32, #tpu.memory_space<hbm>>
      %dma_start3A_51 = arith.constant 0 : i32
      %dma_start3A_52 = tpu.memref_slice %arg16[%mul3A_26, %dma_start3A_51] : memref<4096x32xf32, #tpu.memory_space<hbm>> -> memref<128x32xf32, #tpu.memory_space<hbm>>
      tpu.enqueue_dma source(%arg27 : memref<128x32xf32, #tpu.memory_space<vmem>>) target(%dma_start3A_52 : memref<128x32xf32, #tpu.memory_space<hbm>>) target_semaphore(%run_scoped3A : memref<!tpu.dma_semaphore, #tpu.memory_space<semaphore_mem>>)
      %dma_wait3A_53 = arith.constant 0 : i32
      %dma_wait3A_54 = tpu.memref_slice %arg16[%mul3A_26, %dma_wait3A_53] : memref<4096x32xf32, #tpu.memory_space<hbm>> -> memref<128x32xf32, #tpu.memory_space<hbm>>
      %dma_wait3A_55 = arith.constant 0 : i32
      %dma_wait3A_56 = tpu.memref_slice %arg16[%mul3A_26, %dma_wait3A_55] : memref<4096x32xf32, #tpu.memory_space<hbm>> -> memref<128x32xf32, #tpu.memory_space<hbm>>
      tpu.wait_dma2 semaphore(%run_scoped3A : memref<!tpu.dma_semaphore, #tpu.memory_space<semaphore_mem>>) src(%arg27 : memref<128x32xf32, #tpu.memory_space<vmem>>) dst(%dma_wait3A_56 : memref<128x32xf32, #tpu.memory_space<hbm>>)
      tpu.yield
    }) : () -> ()
    "tpu.region"() ({
      %run_scoped3A = tpu.sem_alloc : memref<!tpu.dma_semaphore, #tpu.memory_space<semaphore_mem>>
      %dma_start3A_49 = tpu.memref_slice %arg17[%mul3A_28] : memref<4352xf32, #tpu.memory_space<hbm>> -> memref<136xf32, #tpu.memory_space<hbm>>
      %dma_start3A_50 = tpu.memref_slice %arg17[%mul3A_28] : memref<4352xf32, #tpu.memory_space<hbm>> -> memref<136xf32, #tpu.memory_space<hbm>>
      tpu.enqueue_dma source(%arg28 : memref<136xf32, #tpu.memory_space<vmem>>) target(%dma_start3A_50 : memref<136xf32, #tpu.memory_space<hbm>>) target_semaphore(%run_scoped3A : memref<!tpu.dma_semaphore, #tpu.memory_space<semaphore_mem>>)
      %dma_wait3A_51 = tpu.memref_slice %arg17[%mul3A_28] : memref<4352xf32, #tpu.memory_space<hbm>> -> memref<136xf32, #tpu.memory_space<hbm>>
      %dma_wait3A_52 = tpu.memref_slice %arg17[%mul3A_28] : memref<4352xf32, #tpu.memory_space<hbm>> -> memref<136xf32, #tpu.memory_space<hbm>>
      tpu.wait_dma2 semaphore(%run_scoped3A : memref<!tpu.dma_semaphore, #tpu.memory_space<semaphore_mem>>) src(%arg28 : memref<136xf32, #tpu.memory_space<vmem>>) dst(%dma_wait3A_52 : memref<136xf32, #tpu.memory_space<hbm>>)
      tpu.yield
    }) : () -> ()
    return
  }
}

module attributes {stable_mosaic.version = 14 : i64} {
  func.func @_tc_body(%arg0: memref<256x1xi32, #tpu.memory_space<vmem>>, %arg1: memref<256x3xf32, #tpu.memory_space<vmem>>, %arg2: memref<256x32xf32, #tpu.memory_space<vmem>>, %arg3: memref<4352xf32, #tpu.memory_space<vmem>>, %arg4: memref<2560x32xf32, #tpu.memory_space<vmem>>, %arg5: memref<2x256xi32, #tpu.memory_space<vmem>>, %arg6: memref<2048x1xi32, #tpu.memory_space<vmem>>, %arg7: memref<2048x32xf32, #tpu.memory_space<vmem>>, %arg8: memref<4x8192xi32, #tpu.memory_space<vmem>>, %arg9: memref<2048xi32, #tpu.memory_space<vmem>>, %arg10: memref<2048xi32, #tpu.memory_space<vmem>>, %arg11: memref<4096x1xf32, #tpu.memory_space<vmem>>, %arg12: memref<4096x32xf32, #tpu.memory_space<vmem>>, %arg13: memref<7x8xf32, #tpu.memory_space<vmem>>, %arg14: memref<16xf32, #tpu.memory_space<vmem>>, %arg15: memref<16xf32, #tpu.memory_space<vmem>>, %arg16: memref<120x96xf32, #tpu.memory_space<vmem>>, %arg17: memref<32x96xf32, #tpu.memory_space<vmem>>, %arg18: memref<96xf32, #tpu.memory_space<vmem>>, %arg19: memref<96xf32, #tpu.memory_space<vmem>>, %arg20: memref<64x32xf32, #tpu.memory_space<vmem>>, %arg21: memref<32xf32, #tpu.memory_space<vmem>>, %arg22: memref<64x32xf32, #tpu.memory_space<vmem>>, %arg23: memref<32xf32, #tpu.memory_space<vmem>>, %arg24: memref<64x32xf32, #tpu.memory_space<vmem>>, %arg25: memref<32xf32, #tpu.memory_space<vmem>>, %arg26: memref<48x32xf32, #tpu.memory_space<vmem>>, %arg27: memref<64x32xf32, #tpu.memory_space<vmem>>, %arg28: memref<32xf32, #tpu.memory_space<vmem>>, %arg29: memref<4x512x32xf32, #tpu.memory_space<vmem>>) attributes {dimension_semantics = [], scalar_prefetch = 0 : i64, scratch_operands = 0 : i64, tpu.core_type = #tpu.core_type<tc>} {
    %get3A = arith.constant 0 : index
    %get3A_0 = arith.constant 0 : index
    %get3A_1 = vector.load %arg4[%get3A, %get3A_0] : memref<2560x32xf32, #tpu.memory_space<vmem>>, vector<2560x32xf32>
    %slice3A = vector.extract_strided_slice %get3A_1 {offsets = [0, 0], sizes = [256, 32], strides = [1, 1]} : vector<2560x32xf32> to vector<256x32xf32>
    %slice3A_2 = vector.extract_strided_slice %get3A_1 {offsets = [256, 0], sizes = [256, 32], strides = [1, 1]} : vector<2560x32xf32> to vector<256x32xf32>
    %slice3A_3 = vector.extract_strided_slice %get3A_1 {offsets = [512, 0], sizes = [2048, 32], strides = [1, 1]} : vector<2560x32xf32> to vector<2048x32xf32>
    %get3A_4 = arith.constant 0 : index
    %get3A_5 = arith.constant 0 : index
    %get3A_6 = vector.load %arg7[%get3A_4, %get3A_5] : memref<2048x32xf32, #tpu.memory_space<vmem>>, vector<2048x32xf32>
    %get3A_7 = arith.constant 0 : index
    %get3A_8 = arith.constant 0 : index
    %get3A_9 = vector.load %arg12[%get3A_7, %get3A_8] : memref<4096x32xf32, #tpu.memory_space<vmem>>, vector<4096x32xf32>
    %get3A_10 = arith.constant 0 : index
    %get3A_11 = vector.load %arg3[%get3A_10] : memref<4352xf32, #tpu.memory_space<vmem>>, vector<4352xf32>
    %reshape3A = vector.shape_cast %get3A_11 : vector<4352xf32> to vector<4352x1xf32>
    %slice3A_12 = vector.extract_strided_slice %reshape3A {offsets = [0, 0], sizes = [256, 1], strides = [1, 1]} : vector<4352x1xf32> to vector<256x1xf32>
    %slice3A_13 = vector.extract_strided_slice %reshape3A {offsets = [256, 0], sizes = [4096, 1], strides = [1, 1]} : vector<4352x1xf32> to vector<4096x1xf32>
    %get3A_14 = arith.constant 0 : index
    %get3A_15 = arith.constant 0 : index
    %get3A_16 = vector.load %arg0[%get3A_14, %get3A_15] : memref<256x1xi32, #tpu.memory_space<vmem>>, vector<256x1xi32>
    %eq3A = arith.constant 3 : i32
    %eq3A_17 = vector.broadcast %eq3A : i32 to vector<256x1xi32>
    %eq3A_18 = arith.cmpi eq, %get3A_16, %eq3A_17 : vector<256x1xi32>
    %eq3A_19 = arith.constant 4 : i32
    %eq3A_20 = vector.broadcast %eq3A_19 : i32 to vector<256x1xi32>
    %eq3A_21 = arith.cmpi eq, %get3A_16, %eq3A_20 : vector<256x1xi32>
    %or3A = arith.ori %eq3A_18, %eq3A_21 : vector<256x1xi1>
    %convert_element_type3A = arith.extui %or3A : vector<256x1xi1> to vector<256x1xi32>
    %convert_element_type3A_22 = arith.sitofp %convert_element_type3A : vector<256x1xi32> to vector<256x1xf32>
    %eq3A_23 = arith.constant 0 : i32
    %eq3A_24 = vector.broadcast %eq3A_23 : i32 to vector<256x1xi32>
    %eq3A_25 = arith.cmpi eq, %get3A_16, %eq3A_24 : vector<256x1xi32>
    %eq3A_26 = arith.constant 1 : i32
    %eq3A_27 = vector.broadcast %eq3A_26 : i32 to vector<256x1xi32>
    %eq3A_28 = arith.cmpi eq, %get3A_16, %eq3A_27 : vector<256x1xi32>
    %or3A_29 = arith.ori %eq3A_25, %eq3A_28 : vector<256x1xi1>
    %eq3A_30 = arith.constant 2 : i32
    %eq3A_31 = vector.broadcast %eq3A_30 : i32 to vector<256x1xi32>
    %eq3A_32 = arith.cmpi eq, %get3A_16, %eq3A_31 : vector<256x1xi32>
    %or3A_33 = arith.ori %or3A_29, %eq3A_32 : vector<256x1xi1>
    %convert_element_type3A_34 = arith.extui %or3A_33 : vector<256x1xi1> to vector<256x1xi32>
    %convert_element_type3A_35 = arith.sitofp %convert_element_type3A_34 : vector<256x1xi32> to vector<256x1xf32>
    %sub3A = arith.constant 1.000000e+00 : f32
    %sub3A_36 = vector.broadcast %sub3A : f32 to vector<256x1xf32>
    %sub3A_37 = arith.subf %sub3A_36, %convert_element_type3A_35 : vector<256x1xf32>
    %get3A_38 = arith.constant 0 : index
    %get3A_39 = arith.constant 0 : index
    %get3A_40 = vector.load %arg1[%get3A_38, %get3A_39] : memref<256x3xf32, #tpu.memory_space<vmem>>, vector<256x1xf32>
    %get3A_41 = arith.constant 0 : index
    %get3A_42 = arith.constant 1 : index
    %get3A_43 = vector.load %arg1[%get3A_41, %get3A_42] : memref<256x3xf32, #tpu.memory_space<vmem>>, vector<256x1xf32>
    %get3A_44 = arith.constant 0 : index
    %get3A_45 = arith.constant 2 : index
    %get3A_46 = vector.load %arg1[%get3A_44, %get3A_45] : memref<256x3xf32, #tpu.memory_space<vmem>>, vector<256x1xf32>
    %mul3A = arith.mulf %slice3A_12, %get3A_46 : vector<256x1xf32>
    %sub3A_47 = arith.subf %get3A_40, %mul3A : vector<256x1xf32>
    %mul3A_48 = arith.mulf %get3A_40, %convert_element_type3A_22 : vector<256x1xf32>
    %mul3A_49 = arith.mulf %sub3A_47, %get3A_46 : vector<256x1xf32>
    %add3A = arith.addf %mul3A_48, %mul3A_49 : vector<256x1xf32>
    %get3A_50 = arith.constant 0 : index
    %get3A_51 = vector.load %arg14[%get3A_50] : memref<16xf32, #tpu.memory_space<vmem>>, vector<16xf32>
    %reshape3A_52 = vector.shape_cast %get3A_51 : vector<16xf32> to vector<1x16xf32>
    %get3A_53 = arith.constant 0 : index
    %get3A_54 = vector.load %arg15[%get3A_53] : memref<16xf32, #tpu.memory_space<vmem>>, vector<16xf32>
    %reshape3A_55 = vector.shape_cast %get3A_54 : vector<16xf32> to vector<1x16xf32>
    %mul3A_56 = vector.broadcast %add3A : vector<256x1xf32> to vector<256x16xf32>
    %mul3A_57 = vector.broadcast %reshape3A_52 : vector<1x16xf32> to vector<256x16xf32>
    %mul3A_58 = arith.mulf %mul3A_56, %mul3A_57 : vector<256x16xf32>
    %add3A_59 = vector.broadcast %reshape3A_55 : vector<1x16xf32> to vector<256x16xf32>
    %add3A_60 = arith.addf %mul3A_58, %add3A_59 : vector<256x16xf32>
    %cos3A = math.cos %add3A_60 : vector<256x16xf32>
    %mul3A_61 = vector.broadcast %sub3A_37 : vector<256x1xf32> to vector<256x16xf32>
    %mul3A_62 = arith.mulf %cos3A, %mul3A_61 : vector<256x16xf32>
    %iota3A = tpu.iota {dimensions = array<i32: 1>} : vector<1x7xi32>
    %eq3A_63 = vector.broadcast %get3A_16 : vector<256x1xi32> to vector<256x7xi32>
    %eq3A_64 = vector.broadcast %iota3A : vector<1x7xi32> to vector<256x7xi32>
    %eq3A_65 = arith.cmpi eq, %eq3A_63, %eq3A_64 : vector<256x7xi32>
    %convert_element_type3A_66 = arith.extui %eq3A_65 : vector<256x7xi1> to vector<256x7xi32>
    %convert_element_type3A_67 = arith.sitofp %convert_element_type3A_66 : vector<256x7xi32> to vector<256x7xf32>
    %get3A_68 = arith.constant 0 : index
    %get3A_69 = arith.constant 0 : index
    %get3A_70 = vector.load %arg13[%get3A_68, %get3A_69] : memref<7x8xf32, #tpu.memory_space<vmem>>, vector<7x8xf32>
    %dot_general3A = arith.constant dense<0.000000e+00> : vector<256x8xf32>
    %dot_general3A_71 = tpu.matmul %convert_element_type3A_67, %get3A_70, %dot_general3A {dimension_numbers = #tpu.dot_dimension_numbers<[1], [0], [0], [1], [0, 0, 1, 1], [], []>, transpose_lhs_hint = false} : vector<256x7xf32>, vector<7x8xf32>, vector<256x8xf32> -> vector<256x8xf32>
    %mul3A_72 = vector.broadcast %get3A_43 : vector<256x1xf32> to vector<256x32xf32>
    %mul3A_73 = arith.mulf %slice3A, %mul3A_72 : vector<256x32xf32>
    %mul3A_74 = vector.broadcast %get3A_46 : vector<256x1xf32> to vector<256x32xf32>
    %mul3A_75 = arith.mulf %slice3A_2, %mul3A_74 : vector<256x32xf32>
    %get3A_76 = arith.constant 0 : index
    %get3A_77 = arith.constant 0 : index
    %get3A_78 = vector.load %arg2[%get3A_76, %get3A_77] : memref<256x32xf32, #tpu.memory_space<vmem>>, vector<256x32xf32>
    %concatenate3A = tpu.concatenate %dot_general3A_71, %mul3A_73, %mul3A_75, %mul3A_62, %get3A_78 in 1 : vector<256x8xf32>, vector<256x32xf32>, vector<256x32xf32>, vector<256x16xf32>, vector<256x32xf32> -> vector<256x120xf32>
    %mul3A_79 = vector.broadcast %sub3A_37 : vector<256x1xf32> to vector<256x120xf32>
    %mul3A_80 = arith.mulf %concatenate3A, %mul3A_79 : vector<256x120xf32>
    %concatenate3A_81 = tpu.concatenate %dot_general3A_71, %mul3A_75, %mul3A_73, %mul3A_62, %get3A_78 in 1 : vector<256x8xf32>, vector<256x32xf32>, vector<256x32xf32>, vector<256x16xf32>, vector<256x32xf32> -> vector<256x120xf32>
    %mul3A_82 = vector.broadcast %get3A_46 : vector<256x1xf32> to vector<256x120xf32>
    %mul3A_83 = arith.mulf %concatenate3A_81, %mul3A_82 : vector<256x120xf32>
    %get3A_84 = arith.constant 0 : index
    %get3A_85 = arith.constant 0 : index
    %get3A_86 = vector.load %arg5[%get3A_84, %get3A_85] : memref<2x256xi32, #tpu.memory_space<vmem>>, vector<1x256xi32>
    %get3A_87 = arith.constant 1 : index
    %get3A_88 = arith.constant 0 : index
    %get3A_89 = vector.load %arg5[%get3A_87, %get3A_88] : memref<2x256xi32, #tpu.memory_space<vmem>>, vector<1x256xi32>
    %get3A_90 = arith.constant 0 : index
    %get3A_91 = arith.constant 0 : index
    %get3A_92 = vector.load %arg6[%get3A_90, %get3A_91] : memref<2048x1xi32, #tpu.memory_space<vmem>>, vector<2048x1xi32>
    %eq3A_93 = vector.broadcast %get3A_92 : vector<2048x1xi32> to vector<2048x256xi32>
    %eq3A_94 = vector.broadcast %get3A_86 : vector<1x256xi32> to vector<2048x256xi32>
    %eq3A_95 = arith.cmpi eq, %eq3A_93, %eq3A_94 : vector<2048x256xi32>
    %convert_element_type3A_96 = arith.extui %eq3A_95 : vector<2048x256xi1> to vector<2048x256xi32>
    %convert_element_type3A_97 = arith.sitofp %convert_element_type3A_96 : vector<2048x256xi32> to vector<2048x256xf32>
    %eq3A_98 = vector.broadcast %get3A_92 : vector<2048x1xi32> to vector<2048x256xi32>
    %eq3A_99 = vector.broadcast %get3A_89 : vector<1x256xi32> to vector<2048x256xi32>
    %eq3A_100 = arith.cmpi eq, %eq3A_98, %eq3A_99 : vector<2048x256xi32>
    %convert_element_type3A_101 = arith.extui %eq3A_100 : vector<2048x256xi1> to vector<2048x256xi32>
    %convert_element_type3A_102 = arith.sitofp %convert_element_type3A_101 : vector<2048x256xi32> to vector<2048x256xf32>
    %reduce_sum3A = arith.constant dense<0.000000e+00> : vector<2048xf32>
    %reduce_sum3A_103 = vector.multi_reduction <add>, %convert_element_type3A_97, %reduce_sum3A [1] : vector<2048x256xf32> to vector<2048xf32>
    %broadcast_in_dim3A = vector.shape_cast %reduce_sum3A_103 : vector<2048xf32> to vector<2048x1xf32>
    %reduce_sum3A_104 = arith.constant dense<0.000000e+00> : vector<2048xf32>
    %reduce_sum3A_105 = vector.multi_reduction <add>, %convert_element_type3A_102, %reduce_sum3A_104 [1] : vector<2048x256xf32> to vector<2048xf32>
    %broadcast_in_dim3A_106 = vector.shape_cast %reduce_sum3A_105 : vector<2048xf32> to vector<2048x1xf32>
    %dot_general3A_107 = arith.constant dense<0.000000e+00> : vector<2048x120xf32>
    %dot_general3A_108 = tpu.matmul %convert_element_type3A_97, %mul3A_80, %dot_general3A_107 {dimension_numbers = #tpu.dot_dimension_numbers<[1], [0], [0], [1], [0, 0, 1, 1], [], []>, transpose_lhs_hint = false} : vector<2048x256xf32>, vector<256x120xf32>, vector<2048x120xf32> -> vector<2048x120xf32>
    %max3A = arith.constant 1.000000e+00 : f32
    %max3A_109 = vector.broadcast %max3A : f32 to vector<2048x1xf32>
    %max3A_110 = arith.maximumf %broadcast_in_dim3A, %max3A_109 : vector<2048x1xf32>
    %div3A = vector.broadcast %max3A_110 : vector<2048x1xf32> to vector<2048x120xf32>
    %div3A_111 = arith.divf %dot_general3A_108, %div3A : vector<2048x120xf32>
    %dot_general3A_112 = arith.constant dense<0.000000e+00> : vector<2048x120xf32>
    %dot_general3A_113 = tpu.matmul %convert_element_type3A_102, %mul3A_83, %dot_general3A_112 {dimension_numbers = #tpu.dot_dimension_numbers<[1], [0], [0], [1], [0, 0, 1, 1], [], []>, transpose_lhs_hint = false} : vector<2048x256xf32>, vector<256x120xf32>, vector<2048x120xf32> -> vector<2048x120xf32>
    %max3A_114 = arith.constant 1.000000e+00 : f32
    %max3A_115 = vector.broadcast %max3A_114 : f32 to vector<2048x1xf32>
    %max3A_116 = arith.maximumf %broadcast_in_dim3A_106, %max3A_115 : vector<2048x1xf32>
    %div3A_117 = vector.broadcast %max3A_116 : vector<2048x1xf32> to vector<2048x120xf32>
    %div3A_118 = arith.divf %dot_general3A_113, %div3A_117 : vector<2048x120xf32>
    %get3A_119 = arith.constant 0 : index
    %get3A_120 = vector.load %arg9[%get3A_119] : memref<2048xi32, #tpu.memory_space<vmem>>, vector<2048xi32>
    %reshape3A_121 = vector.shape_cast %get3A_120 : vector<2048xi32> to vector<2048x1xi32>
    %gt3A = arith.constant 0 : i32
    %gt3A_122 = vector.broadcast %gt3A : i32 to vector<2048x1xi32>
    %gt3A_123 = arith.cmpi sgt, %reshape3A_121, %gt3A_122 : vector<2048x1xi32>
    %get3A_124 = arith.constant 0 : index
    %get3A_125 = vector.load %arg10[%get3A_124] : memref<2048xi32, #tpu.memory_space<vmem>>, vector<2048xi32>
    %reshape3A_126 = vector.shape_cast %get3A_125 : vector<2048xi32> to vector<2048x1xi32>
    %gt3A_127 = arith.constant 0 : i32
    %gt3A_128 = vector.broadcast %gt3A_127 : i32 to vector<2048x1xi32>
    %gt3A_129 = arith.cmpi sgt, %reshape3A_126, %gt3A_128 : vector<2048x1xi32>
    %broadcast_in_dim3A_130 = vector.shape_cast %gt3A_129 : vector<2048x1xi1> to vector<2048x1xi1>
    %broadcast_in_dim3A_131 = vector.broadcast %broadcast_in_dim3A_130 : vector<2048x1xi1> to vector<2048x120xi1>
    %select_n3A = arith.select %broadcast_in_dim3A_131, %div3A_118, %div3A_111 : vector<2048x120xi1>, vector<2048x120xf32>
    %get3A_132 = arith.constant 0 : index
    %get3A_133 = arith.constant 0 : index
    %get3A_134 = vector.load %arg16[%get3A_132, %get3A_133] : memref<120x96xf32, #tpu.memory_space<vmem>>, vector<120x96xf32>
    %dot_general3A_135 = arith.constant dense<0.000000e+00> : vector<2048x96xf32>
    %dot_general3A_136 = tpu.matmul %select_n3A, %get3A_134, %dot_general3A_135 {dimension_numbers = #tpu.dot_dimension_numbers<[1], [0], [0], [1], [0, 0, 1, 1], [], []>, transpose_lhs_hint = false} : vector<2048x120xf32>, vector<120x96xf32>, vector<2048x96xf32> -> vector<2048x96xf32>
    %get3A_137 = arith.constant 0 : index
    %get3A_138 = vector.load %arg18[%get3A_137] : memref<96xf32, #tpu.memory_space<vmem>>, vector<96xf32>
    %reshape3A_139 = vector.shape_cast %get3A_138 : vector<96xf32> to vector<1x96xf32>
    %add3A_140 = vector.broadcast %reshape3A_139 : vector<1x96xf32> to vector<2048x96xf32>
    %add3A_141 = arith.addf %dot_general3A_136, %add3A_140 : vector<2048x96xf32>
    %get3A_142 = arith.constant 0 : index
    %get3A_143 = arith.constant 0 : index
    %get3A_144 = vector.load %arg17[%get3A_142, %get3A_143] : memref<32x96xf32, #tpu.memory_space<vmem>>, vector<32x96xf32>
    %dot_general3A_145 = arith.constant dense<0.000000e+00> : vector<2048x96xf32>
    %dot_general3A_146 = tpu.matmul %slice3A_3, %get3A_144, %dot_general3A_145 {dimension_numbers = #tpu.dot_dimension_numbers<[1], [0], [0], [1], [0, 0, 1, 1], [], []>, transpose_lhs_hint = false} : vector<2048x32xf32>, vector<32x96xf32>, vector<2048x96xf32> -> vector<2048x96xf32>
    %get3A_147 = arith.constant 0 : index
    %get3A_148 = vector.load %arg19[%get3A_147] : memref<96xf32, #tpu.memory_space<vmem>>, vector<96xf32>
    %reshape3A_149 = vector.shape_cast %get3A_148 : vector<96xf32> to vector<1x96xf32>
    %add3A_150 = vector.broadcast %reshape3A_149 : vector<1x96xf32> to vector<2048x96xf32>
    %add3A_151 = arith.addf %dot_general3A_146, %add3A_150 : vector<2048x96xf32>
    %slice3A_152 = vector.extract_strided_slice %add3A_141 {offsets = [0, 0], sizes = [2048, 32], strides = [1, 1]} : vector<2048x96xf32> to vector<2048x32xf32>
    %slice3A_153 = vector.extract_strided_slice %add3A_151 {offsets = [0, 0], sizes = [2048, 32], strides = [1, 1]} : vector<2048x96xf32> to vector<2048x32xf32>
    %add3A_154 = arith.addf %slice3A_152, %slice3A_153 : vector<2048x32xf32>
    %neg3A = arith.constant 0.000000e+00 : f32
    %neg3A_155 = vector.broadcast %neg3A : f32 to vector<2048x32xf32>
    %neg3A_156 = arith.subf %neg3A_155, %add3A_154 : vector<2048x32xf32>
    %exp3A = math.exp %neg3A_156 : vector<2048x32xf32>
    %add3A_157 = arith.constant 1.000000e+00 : f32
    %add3A_158 = vector.broadcast %add3A_157 : f32 to vector<2048x32xf32>
    %add3A_159 = arith.addf %add3A_158, %exp3A : vector<2048x32xf32>
    %div3A_160 = arith.constant 1.000000e+00 : f32
    %div3A_161 = vector.broadcast %div3A_160 : f32 to vector<2048x32xf32>
    %div3A_162 = arith.divf %div3A_161, %add3A_159 : vector<2048x32xf32>
    %slice3A_163 = vector.extract_strided_slice %add3A_141 {offsets = [0, 32], sizes = [2048, 32], strides = [1, 1]} : vector<2048x96xf32> to vector<2048x32xf32>
    %slice3A_164 = vector.extract_strided_slice %add3A_151 {offsets = [0, 32], sizes = [2048, 32], strides = [1, 1]} : vector<2048x96xf32> to vector<2048x32xf32>
    %add3A_165 = arith.addf %slice3A_163, %slice3A_164 : vector<2048x32xf32>
    %neg3A_166 = arith.constant 0.000000e+00 : f32
    %neg3A_167 = vector.broadcast %neg3A_166 : f32 to vector<2048x32xf32>
    %neg3A_168 = arith.subf %neg3A_167, %add3A_165 : vector<2048x32xf32>
    %exp3A_169 = math.exp %neg3A_168 : vector<2048x32xf32>
    %add3A_170 = arith.constant 1.000000e+00 : f32
    %add3A_171 = vector.broadcast %add3A_170 : f32 to vector<2048x32xf32>
    %add3A_172 = arith.addf %add3A_171, %exp3A_169 : vector<2048x32xf32>
    %div3A_173 = arith.constant 1.000000e+00 : f32
    %div3A_174 = vector.broadcast %div3A_173 : f32 to vector<2048x32xf32>
    %div3A_175 = arith.divf %div3A_174, %add3A_172 : vector<2048x32xf32>
    %slice3A_176 = vector.extract_strided_slice %add3A_141 {offsets = [0, 64], sizes = [2048, 32], strides = [1, 1]} : vector<2048x96xf32> to vector<2048x32xf32>
    %slice3A_177 = vector.extract_strided_slice %add3A_151 {offsets = [0, 64], sizes = [2048, 32], strides = [1, 1]} : vector<2048x96xf32> to vector<2048x32xf32>
    %mul3A_178 = arith.mulf %div3A_162, %slice3A_177 : vector<2048x32xf32>
    %add3A_179 = arith.addf %slice3A_176, %mul3A_178 : vector<2048x32xf32>
    %mul3A_180 = arith.constant 2.000000e+00 : f32
    %mul3A_181 = vector.broadcast %mul3A_180 : f32 to vector<2048x32xf32>
    %mul3A_182 = arith.mulf %mul3A_181, %add3A_179 : vector<2048x32xf32>
    %exp3A_183 = math.exp %mul3A_182 : vector<2048x32xf32>
    %add3A_184 = arith.constant 1.000000e+00 : f32
    %add3A_185 = vector.broadcast %add3A_184 : f32 to vector<2048x32xf32>
    %add3A_186 = arith.addf %exp3A_183, %add3A_185 : vector<2048x32xf32>
    %div3A_187 = arith.constant 2.000000e+00 : f32
    %div3A_188 = vector.broadcast %div3A_187 : f32 to vector<2048x32xf32>
    %div3A_189 = arith.divf %div3A_188, %add3A_186 : vector<2048x32xf32>
    %sub3A_190 = arith.constant 1.000000e+00 : f32
    %sub3A_191 = vector.broadcast %sub3A_190 : f32 to vector<2048x32xf32>
    %sub3A_192 = arith.subf %sub3A_191, %div3A_189 : vector<2048x32xf32>
    %sub3A_193 = arith.constant 1.000000e+00 : f32
    %sub3A_194 = vector.broadcast %sub3A_193 : f32 to vector<2048x32xf32>
    %sub3A_195 = arith.subf %sub3A_194, %div3A_175 : vector<2048x32xf32>
    %mul3A_196 = arith.mulf %sub3A_195, %sub3A_192 : vector<2048x32xf32>
    %mul3A_197 = arith.mulf %div3A_175, %slice3A_3 : vector<2048x32xf32>
    %add3A_198 = arith.addf %mul3A_196, %mul3A_197 : vector<2048x32xf32>
    %or3A_199 = arith.ori %gt3A_123, %gt3A_129 : vector<2048x1xi1>
    %broadcast_in_dim3A_200 = vector.shape_cast %or3A_199 : vector<2048x1xi1> to vector<2048x1xi1>
    %broadcast_in_dim3A_201 = vector.broadcast %broadcast_in_dim3A_200 : vector<2048x1xi1> to vector<2048x32xi1>
    %select_n3A_202 = arith.select %broadcast_in_dim3A_201, %add3A_198, %slice3A_3 : vector<2048x32xi1>, vector<2048x32xf32>
    %concatenate3A_203 = tpu.concatenate %get3A_6, %select_n3A_202 in 1 : vector<2048x32xf32>, vector<2048x32xf32> -> vector<2048x64xf32>
    %iota3A_204 = tpu.iota {dimensions = array<i32: 1>} : vector<1x2048xi32>
    %iota3A_205 = tpu.iota {dimensions = array<i32: 0>} : vector<2048x1xi32>
    %get3A_206 = arith.constant 0 : index
    %get3A_207 = arith.constant 0 : index
    %get3A_208 = vector.load %arg8[%get3A_206, %get3A_207] : memref<4x8192xi32, #tpu.memory_space<vmem>>, vector<4x8192xi32>
    %reduce_min3A = arith.constant dense<2147483647> : vector<8192xi32>
    %reduce_min3A_209 = vector.multi_reduction <minsi>, %get3A_208, %reduce_min3A [0] : vector<4x8192xi32> to vector<8192xi32>
    %broadcast_in_dim3A_210 = vector.shape_cast %reduce_min3A_209 : vector<8192xi32> to vector<1x8192xi32>
    %eq3A_211 = arith.constant 2048 : i32
    %eq3A_212 = vector.broadcast %eq3A_211 : i32 to vector<1x8192xi32>
    %eq3A_213 = arith.cmpi eq, %broadcast_in_dim3A_210, %eq3A_212 : vector<1x8192xi32>
    %jit3A = arith.constant 0 : i32
    %broadcast_in_dim3A_214 = vector.broadcast %jit3A : i32 to vector<1x8192xi32>
    %select_n3A_215 = arith.select %eq3A_213, %broadcast_in_dim3A_214, %broadcast_in_dim3A_210 : vector<1x8192xi1>, vector<1x8192xi32>
    %slice3A_216 = vector.extract_strided_slice %select_n3A_215 {offsets = [0, 0], sizes = [1, 4096], strides = [1, 1]} : vector<1x8192xi32> to vector<1x4096xi32>
    %reshape3A_217 = vector.shape_cast %slice3A_216 : vector<1x4096xi32> to vector<4096x1xi32>
    %slice3A_218 = vector.extract_strided_slice %select_n3A_215 {offsets = [0, 4096], sizes = [1, 4096], strides = [1, 1]} : vector<1x8192xi32> to vector<1x4096xi32>
    %reshape3A_219 = vector.shape_cast %slice3A_218 : vector<1x4096xi32> to vector<4096x1xi32>
    %slice3A_220 = vector.extract_strided_slice %select_n3A_215 {offsets = [0, 4096], sizes = [1, 4096], strides = [1, 1]} : vector<1x8192xi32> to vector<1x4096xi32>
    %get3A_221 = arith.constant 0 : index
    %get3A_222 = arith.constant 0 : index
    %get3A_223 = vector.load %arg20[%get3A_221, %get3A_222] : memref<64x32xf32, #tpu.memory_space<vmem>>, vector<64x32xf32>
    %dot_general3A_224 = arith.constant dense<0.000000e+00> : vector<2048x32xf32>
    %dot_general3A_225 = tpu.matmul %concatenate3A_203, %get3A_223, %dot_general3A_224 {dimension_numbers = #tpu.dot_dimension_numbers<[1], [0], [0], [1], [0, 0, 1, 1], [], []>, transpose_lhs_hint = false} : vector<2048x64xf32>, vector<64x32xf32>, vector<2048x32xf32> -> vector<2048x32xf32>
    %get3A_226 = arith.constant 0 : index
    %get3A_227 = vector.load %arg21[%get3A_226] : memref<32xf32, #tpu.memory_space<vmem>>, vector<32xf32>
    %reshape3A_228 = vector.shape_cast %get3A_227 : vector<32xf32> to vector<1x32xf32>
    %add3A_229 = vector.broadcast %reshape3A_228 : vector<1x32xf32> to vector<2048x32xf32>
    %add3A_230 = arith.addf %dot_general3A_225, %add3A_229 : vector<2048x32xf32>
    %get3A_231 = arith.constant 0 : index
    %get3A_232 = arith.constant 0 : index
    %get3A_233 = vector.load %arg22[%get3A_231, %get3A_232] : memref<64x32xf32, #tpu.memory_space<vmem>>, vector<64x32xf32>
    %dot_general3A_234 = arith.constant dense<0.000000e+00> : vector<2048x32xf32>
    %dot_general3A_235 = tpu.matmul %concatenate3A_203, %get3A_233, %dot_general3A_234 {dimension_numbers = #tpu.dot_dimension_numbers<[1], [0], [0], [1], [0, 0, 1, 1], [], []>, transpose_lhs_hint = false} : vector<2048x64xf32>, vector<64x32xf32>, vector<2048x32xf32> -> vector<2048x32xf32>
    %get3A_236 = arith.constant 0 : index
    %get3A_237 = vector.load %arg23[%get3A_236] : memref<32xf32, #tpu.memory_space<vmem>>, vector<32xf32>
    %reshape3A_238 = vector.shape_cast %get3A_237 : vector<32xf32> to vector<1x32xf32>
    %add3A_239 = vector.broadcast %reshape3A_238 : vector<1x32xf32> to vector<2048x32xf32>
    %add3A_240 = arith.addf %dot_general3A_235, %add3A_239 : vector<2048x32xf32>
    %get3A_241 = arith.constant 0 : index
    %get3A_242 = arith.constant 0 : index
    %get3A_243 = vector.load %arg24[%get3A_241, %get3A_242] : memref<64x32xf32, #tpu.memory_space<vmem>>, vector<64x32xf32>
    %dot_general3A_244 = arith.constant dense<0.000000e+00> : vector<2048x32xf32>
    %dot_general3A_245 = tpu.matmul %concatenate3A_203, %get3A_243, %dot_general3A_244 {dimension_numbers = #tpu.dot_dimension_numbers<[1], [0], [0], [1], [0, 0, 1, 1], [], []>, transpose_lhs_hint = false} : vector<2048x64xf32>, vector<64x32xf32>, vector<2048x32xf32> -> vector<2048x32xf32>
    %get3A_246 = arith.constant 0 : index
    %get3A_247 = vector.load %arg25[%get3A_246] : memref<32xf32, #tpu.memory_space<vmem>>, vector<32xf32>
    %reshape3A_248 = vector.shape_cast %get3A_247 : vector<32xf32> to vector<1x32xf32>
    %add3A_249 = vector.broadcast %reshape3A_248 : vector<1x32xf32> to vector<2048x32xf32>
    %add3A_250 = arith.addf %dot_general3A_245, %add3A_249 : vector<2048x32xf32>
    %get3A_251 = arith.constant 0 : index
    %get3A_252 = arith.constant 0 : index
    %get3A_253 = vector.load %arg11[%get3A_251, %get3A_252] : memref<4096x1xf32, #tpu.memory_space<vmem>>, vector<4096x1xf32>
    %sub3A_254 = arith.subf %get3A_253, %slice3A_13 : vector<4096x1xf32>
    %mul3A_255 = vector.broadcast %sub3A_254 : vector<4096x1xf32> to vector<4096x16xf32>
    %mul3A_256 = vector.broadcast %reshape3A_52 : vector<1x16xf32> to vector<4096x16xf32>
    %mul3A_257 = arith.mulf %mul3A_255, %mul3A_256 : vector<4096x16xf32>
    %add3A_258 = vector.broadcast %reshape3A_55 : vector<1x16xf32> to vector<4096x16xf32>
    %add3A_259 = arith.addf %mul3A_257, %add3A_258 : vector<4096x16xf32>
    %cos3A_260 = math.cos %add3A_259 : vector<4096x16xf32>
    %concatenate3A_261 = tpu.concatenate %cos3A_260, %get3A_9 in 1 : vector<4096x16xf32>, vector<4096x32xf32> -> vector<4096x48xf32>
    %get3A_262 = arith.constant 0 : index
    %get3A_263 = arith.constant 0 : index
    %get3A_264 = vector.load %arg26[%get3A_262, %get3A_263] : memref<48x32xf32, #tpu.memory_space<vmem>>, vector<48x32xf32>
    %dot_general3A_265 = arith.constant dense<0.000000e+00> : vector<4096x32xf32>
    %dot_general3A_266 = tpu.matmul %concatenate3A_261, %get3A_264, %dot_general3A_265 {dimension_numbers = #tpu.dot_dimension_numbers<[1], [0], [0], [1], [0, 0, 1, 1], [], []>, transpose_lhs_hint = false} : vector<4096x48xf32>, vector<48x32xf32>, vector<4096x32xf32> -> vector<4096x32xf32>
    %convert_element_type3A_267 = arith.truncf %add3A_240 : vector<2048x32xf32> to vector<2048x32xbf16>
    %convert_element_type3A_268 = arith.truncf %add3A_250 : vector<2048x32xf32> to vector<2048x32xbf16>
    %convert_element_type3A_269 = arith.truncf %add3A_230 : vector<2048x32xf32> to vector<2048x32xbf16>
    %broadcast_in_dim3A_270 = arith.constant 0.000000e+00 : f32
    %broadcast_in_dim3A_271 = vector.broadcast %broadcast_in_dim3A_270 : f32 to vector<2048x1xf32>
    %broadcast_in_dim3A_272 = arith.constant 0.000000e+00 : f32
    %broadcast_in_dim3A_273 = vector.broadcast %broadcast_in_dim3A_272 : f32 to vector<2048x32xf32>
    %slice3A_274 = vector.extract_strided_slice %reshape3A_217 {offsets = [0, 0], sizes = [2048, 1], strides = [1, 1]} : vector<4096x1xi32> to vector<2048x1xi32>
    %eq3A_275 = vector.broadcast %slice3A_274 : vector<2048x1xi32> to vector<2048x2048xi32>
    %eq3A_276 = vector.broadcast %iota3A_204 : vector<1x2048xi32> to vector<2048x2048xi32>
    %eq3A_277 = arith.cmpi eq, %eq3A_275, %eq3A_276 : vector<2048x2048xi32>
    %convert_element_type3A_278 = arith.extui %eq3A_277 : vector<2048x2048xi1> to vector<2048x2048xi32>
    %convert_element_type3A_279 = arith.sitofp %convert_element_type3A_278 : vector<2048x2048xi32> to vector<2048x2048xf32>
    %convert_element_type3A_280 = arith.truncf %convert_element_type3A_279 : vector<2048x2048xf32> to vector<2048x2048xbf16>
    %slice3A_281 = vector.extract_strided_slice %reshape3A_219 {offsets = [0, 0], sizes = [2048, 1], strides = [1, 1]} : vector<4096x1xi32> to vector<2048x1xi32>
    %eq3A_282 = vector.broadcast %slice3A_281 : vector<2048x1xi32> to vector<2048x2048xi32>
    %eq3A_283 = vector.broadcast %iota3A_204 : vector<1x2048xi32> to vector<2048x2048xi32>
    %eq3A_284 = arith.cmpi eq, %eq3A_282, %eq3A_283 : vector<2048x2048xi32>
    %convert_element_type3A_285 = arith.extui %eq3A_284 : vector<2048x2048xi1> to vector<2048x2048xi32>
    %convert_element_type3A_286 = arith.sitofp %convert_element_type3A_285 : vector<2048x2048xi32> to vector<2048x2048xf32>
    %convert_element_type3A_287 = arith.truncf %convert_element_type3A_286 : vector<2048x2048xf32> to vector<2048x2048xbf16>
    %slice3A_288 = vector.extract_strided_slice %dot_general3A_266 {offsets = [0, 0], sizes = [2048, 32], strides = [1, 1]} : vector<4096x32xf32> to vector<2048x32xf32>
    %dot_general3A_289 = arith.constant dense<0.000000e+00> : vector<2048x32xf32>
    %dot_general3A_290 = tpu.matmul %convert_element_type3A_280, %convert_element_type3A_267, %dot_general3A_289 {dimension_numbers = #tpu.dot_dimension_numbers<[1], [0], [0], [1], [0, 0, 1, 1], [], []>, transpose_lhs_hint = false} : vector<2048x2048xbf16>, vector<2048x32xbf16>, vector<2048x32xf32> -> vector<2048x32xf32>
    %add3A_291 = arith.addf %dot_general3A_290, %slice3A_288 : vector<2048x32xf32>
    %dot_general3A_292 = arith.constant dense<0.000000e+00> : vector<2048x32xf32>
    %dot_general3A_293 = tpu.matmul %convert_element_type3A_280, %convert_element_type3A_268, %dot_general3A_292 {dimension_numbers = #tpu.dot_dimension_numbers<[1], [0], [0], [1], [0, 0, 1, 1], [], []>, transpose_lhs_hint = false} : vector<2048x2048xbf16>, vector<2048x32xbf16>, vector<2048x32xf32> -> vector<2048x32xf32>
    %add3A_294 = arith.addf %dot_general3A_293, %slice3A_288 : vector<2048x32xf32>
    %dot_general3A_295 = arith.constant dense<0.000000e+00> : vector<2048x32xf32>
    %dot_general3A_296 = tpu.matmul %convert_element_type3A_287, %convert_element_type3A_269, %dot_general3A_295 {dimension_numbers = #tpu.dot_dimension_numbers<[1], [0], [0], [1], [0, 0, 1, 1], [], []>, transpose_lhs_hint = false} : vector<2048x2048xbf16>, vector<2048x32xbf16>, vector<2048x32xf32> -> vector<2048x32xf32>
    %mul3A_297 = arith.mulf %dot_general3A_296, %add3A_291 : vector<2048x32xf32>
    %reduce_sum3A_298 = arith.constant dense<0.000000e+00> : vector<2048xf32>
    %reduce_sum3A_299 = vector.multi_reduction <add>, %mul3A_297, %reduce_sum3A_298 [1] : vector<2048x32xf32> to vector<2048xf32>
    %broadcast_in_dim3A_300 = vector.shape_cast %reduce_sum3A_299 : vector<2048xf32> to vector<2048x1xf32>
    %mul3A_301 = arith.constant 0.176776692 : f32
    %mul3A_302 = vector.broadcast %mul3A_301 : f32 to vector<2048x1xf32>
    %mul3A_303 = arith.mulf %broadcast_in_dim3A_300, %mul3A_302 : vector<2048x1xf32>
    %exp3A_304 = math.exp %mul3A_303 : vector<2048x1xf32>
    %slice3A_305 = vector.extract_strided_slice %slice3A_220 {offsets = [0, 0], sizes = [1, 2048], strides = [1, 1]} : vector<1x4096xi32> to vector<1x2048xi32>
    %eq3A_306 = vector.broadcast %iota3A_205 : vector<2048x1xi32> to vector<2048x2048xi32>
    %eq3A_307 = vector.broadcast %slice3A_305 : vector<1x2048xi32> to vector<2048x2048xi32>
    %eq3A_308 = arith.cmpi eq, %eq3A_306, %eq3A_307 : vector<2048x2048xi32>
    %convert_element_type3A_309 = arith.extui %eq3A_308 : vector<2048x2048xi1> to vector<2048x2048xi32>
    %convert_element_type3A_310 = arith.sitofp %convert_element_type3A_309 : vector<2048x2048xi32> to vector<2048x2048xf32>
    %dot_general3A_311 = arith.constant dense<0.000000e+00> : vector<2048x1xf32>
    %dot_general3A_312 = tpu.matmul %convert_element_type3A_310, %exp3A_304, %dot_general3A_311 {dimension_numbers = #tpu.dot_dimension_numbers<[1], [0], [0], [1], [0, 0, 1, 1], [], []>, transpose_lhs_hint = false} : vector<2048x2048xf32>, vector<2048x1xf32>, vector<2048x1xf32> -> vector<2048x1xf32>
    %add3A_313 = arith.addf %broadcast_in_dim3A_271, %dot_general3A_312 : vector<2048x1xf32>
    %mul3A_314 = vector.broadcast %exp3A_304 : vector<2048x1xf32> to vector<2048x32xf32>
    %mul3A_315 = arith.mulf %mul3A_314, %add3A_294 : vector<2048x32xf32>
    %dot_general3A_316 = arith.constant dense<0.000000e+00> : vector<2048x32xf32>
    %dot_general3A_317 = tpu.matmul %convert_element_type3A_310, %mul3A_315, %dot_general3A_316 {dimension_numbers = #tpu.dot_dimension_numbers<[1], [0], [0], [1], [0, 0, 1, 1], [], []>, transpose_lhs_hint = false} : vector<2048x2048xf32>, vector<2048x32xf32>, vector<2048x32xf32> -> vector<2048x32xf32>
    %add3A_318 = arith.addf %broadcast_in_dim3A_273, %dot_general3A_317 : vector<2048x32xf32>
    %slice3A_319 = vector.extract_strided_slice %reshape3A_217 {offsets = [2048, 0], sizes = [2048, 1], strides = [1, 1]} : vector<4096x1xi32> to vector<2048x1xi32>
    %eq3A_320 = vector.broadcast %slice3A_319 : vector<2048x1xi32> to vector<2048x2048xi32>
    %eq3A_321 = vector.broadcast %iota3A_204 : vector<1x2048xi32> to vector<2048x2048xi32>
    %eq3A_322 = arith.cmpi eq, %eq3A_320, %eq3A_321 : vector<2048x2048xi32>
    %convert_element_type3A_323 = arith.extui %eq3A_322 : vector<2048x2048xi1> to vector<2048x2048xi32>
    %convert_element_type3A_324 = arith.sitofp %convert_element_type3A_323 : vector<2048x2048xi32> to vector<2048x2048xf32>
    %convert_element_type3A_325 = arith.truncf %convert_element_type3A_324 : vector<2048x2048xf32> to vector<2048x2048xbf16>
    %slice3A_326 = vector.extract_strided_slice %reshape3A_219 {offsets = [2048, 0], sizes = [2048, 1], strides = [1, 1]} : vector<4096x1xi32> to vector<2048x1xi32>
    %eq3A_327 = vector.broadcast %slice3A_326 : vector<2048x1xi32> to vector<2048x2048xi32>
    %eq3A_328 = vector.broadcast %iota3A_204 : vector<1x2048xi32> to vector<2048x2048xi32>
    %eq3A_329 = arith.cmpi eq, %eq3A_327, %eq3A_328 : vector<2048x2048xi32>
    %convert_element_type3A_330 = arith.extui %eq3A_329 : vector<2048x2048xi1> to vector<2048x2048xi32>
    %convert_element_type3A_331 = arith.sitofp %convert_element_type3A_330 : vector<2048x2048xi32> to vector<2048x2048xf32>
    %convert_element_type3A_332 = arith.truncf %convert_element_type3A_331 : vector<2048x2048xf32> to vector<2048x2048xbf16>
    %slice3A_333 = vector.extract_strided_slice %dot_general3A_266 {offsets = [2048, 0], sizes = [2048, 32], strides = [1, 1]} : vector<4096x32xf32> to vector<2048x32xf32>
    %dot_general3A_334 = arith.constant dense<0.000000e+00> : vector<2048x32xf32>
    %dot_general3A_335 = tpu.matmul %convert_element_type3A_325, %convert_element_type3A_267, %dot_general3A_334 {dimension_numbers = #tpu.dot_dimension_numbers<[1], [0], [0], [1], [0, 0, 1, 1], [], []>, transpose_lhs_hint = false} : vector<2048x2048xbf16>, vector<2048x32xbf16>, vector<2048x32xf32> -> vector<2048x32xf32>
    %add3A_336 = arith.addf %dot_general3A_335, %slice3A_333 : vector<2048x32xf32>
    %dot_general3A_337 = arith.constant dense<0.000000e+00> : vector<2048x32xf32>
    %dot_general3A_338 = tpu.matmul %convert_element_type3A_325, %convert_element_type3A_268, %dot_general3A_337 {dimension_numbers = #tpu.dot_dimension_numbers<[1], [0], [0], [1], [0, 0, 1, 1], [], []>, transpose_lhs_hint = false} : vector<2048x2048xbf16>, vector<2048x32xbf16>, vector<2048x32xf32> -> vector<2048x32xf32>
    %add3A_339 = arith.addf %dot_general3A_338, %slice3A_333 : vector<2048x32xf32>
    %dot_general3A_340 = arith.constant dense<0.000000e+00> : vector<2048x32xf32>
    %dot_general3A_341 = tpu.matmul %convert_element_type3A_332, %convert_element_type3A_269, %dot_general3A_340 {dimension_numbers = #tpu.dot_dimension_numbers<[1], [0], [0], [1], [0, 0, 1, 1], [], []>, transpose_lhs_hint = false} : vector<2048x2048xbf16>, vector<2048x32xbf16>, vector<2048x32xf32> -> vector<2048x32xf32>
    %mul3A_342 = arith.mulf %dot_general3A_341, %add3A_336 : vector<2048x32xf32>
    %reduce_sum3A_343 = arith.constant dense<0.000000e+00> : vector<2048xf32>
    %reduce_sum3A_344 = vector.multi_reduction <add>, %mul3A_342, %reduce_sum3A_343 [1] : vector<2048x32xf32> to vector<2048xf32>
    %broadcast_in_dim3A_345 = vector.shape_cast %reduce_sum3A_344 : vector<2048xf32> to vector<2048x1xf32>
    %mul3A_346 = arith.constant 0.176776692 : f32
    %mul3A_347 = vector.broadcast %mul3A_346 : f32 to vector<2048x1xf32>
    %mul3A_348 = arith.mulf %broadcast_in_dim3A_345, %mul3A_347 : vector<2048x1xf32>
    %exp3A_349 = math.exp %mul3A_348 : vector<2048x1xf32>
    %slice3A_350 = vector.extract_strided_slice %slice3A_220 {offsets = [0, 2048], sizes = [1, 2048], strides = [1, 1]} : vector<1x4096xi32> to vector<1x2048xi32>
    %eq3A_351 = vector.broadcast %iota3A_205 : vector<2048x1xi32> to vector<2048x2048xi32>
    %eq3A_352 = vector.broadcast %slice3A_350 : vector<1x2048xi32> to vector<2048x2048xi32>
    %eq3A_353 = arith.cmpi eq, %eq3A_351, %eq3A_352 : vector<2048x2048xi32>
    %convert_element_type3A_354 = arith.extui %eq3A_353 : vector<2048x2048xi1> to vector<2048x2048xi32>
    %convert_element_type3A_355 = arith.sitofp %convert_element_type3A_354 : vector<2048x2048xi32> to vector<2048x2048xf32>
    %dot_general3A_356 = arith.constant dense<0.000000e+00> : vector<2048x1xf32>
    %dot_general3A_357 = tpu.matmul %convert_element_type3A_355, %exp3A_349, %dot_general3A_356 {dimension_numbers = #tpu.dot_dimension_numbers<[1], [0], [0], [1], [0, 0, 1, 1], [], []>, transpose_lhs_hint = false} : vector<2048x2048xf32>, vector<2048x1xf32>, vector<2048x1xf32> -> vector<2048x1xf32>
    %add3A_358 = arith.addf %add3A_313, %dot_general3A_357 : vector<2048x1xf32>
    %mul3A_359 = vector.broadcast %exp3A_349 : vector<2048x1xf32> to vector<2048x32xf32>
    %mul3A_360 = arith.mulf %mul3A_359, %add3A_339 : vector<2048x32xf32>
    %dot_general3A_361 = arith.constant dense<0.000000e+00> : vector<2048x32xf32>
    %dot_general3A_362 = tpu.matmul %convert_element_type3A_355, %mul3A_360, %dot_general3A_361 {dimension_numbers = #tpu.dot_dimension_numbers<[1], [0], [0], [1], [0, 0, 1, 1], [], []>, transpose_lhs_hint = false} : vector<2048x2048xf32>, vector<2048x32xf32>, vector<2048x32xf32> -> vector<2048x32xf32>
    %add3A_363 = arith.addf %add3A_318, %dot_general3A_362 : vector<2048x32xf32>
    %max3A_364 = arith.constant 1.000000e-16 : f32
    %max3A_365 = vector.broadcast %max3A_364 : f32 to vector<2048x1xf32>
    %max3A_366 = arith.maximumf %add3A_358, %max3A_365 : vector<2048x1xf32>
    %div3A_367 = vector.broadcast %max3A_366 : vector<2048x1xf32> to vector<2048x32xf32>
    %div3A_368 = arith.divf %add3A_363, %div3A_367 : vector<2048x32xf32>
    %get3A_369 = arith.constant 0 : index
    %get3A_370 = arith.constant 0 : index
    %get3A_371 = vector.load %arg27[%get3A_369, %get3A_370] : memref<64x32xf32, #tpu.memory_space<vmem>>, vector<64x32xf32>
    %dot_general3A_372 = arith.constant dense<0.000000e+00> : vector<2048x32xf32>
    %dot_general3A_373 = tpu.matmul %concatenate3A_203, %get3A_371, %dot_general3A_372 {dimension_numbers = #tpu.dot_dimension_numbers<[1], [0], [0], [1], [0, 0, 1, 1], [], []>, transpose_lhs_hint = false} : vector<2048x64xf32>, vector<64x32xf32>, vector<2048x32xf32> -> vector<2048x32xf32>
    %add3A_374 = arith.addf %div3A_368, %dot_general3A_373 : vector<2048x32xf32>
    %get3A_375 = arith.constant 0 : index
    %get3A_376 = vector.load %arg28[%get3A_375] : memref<32xf32, #tpu.memory_space<vmem>>, vector<32xf32>
    %reshape3A_377 = vector.shape_cast %get3A_376 : vector<32xf32> to vector<1x32xf32>
    %add3A_378 = vector.broadcast %reshape3A_377 : vector<1x32xf32> to vector<2048x32xf32>
    %add3A_379 = arith.addf %add3A_374, %add3A_378 : vector<2048x32xf32>
    %reshape3A_380 = vector.shape_cast %add3A_379 : vector<2048x32xf32> to vector<4x512x32xf32>
    %swap3A = arith.constant 0 : index
    %swap3A_381 = arith.constant 0 : index
    %swap3A_382 = arith.constant 0 : index
    %swap3A_383 = vector.load %arg29[%swap3A, %swap3A_381, %swap3A_382] : memref<4x512x32xf32, #tpu.memory_space<vmem>>, vector<4x512x32xf32>
    tpu.vector_store %arg29[%swap3A, %swap3A_381, %swap3A_382], %reshape3A_380 {strides = array<i32>} : memref<4x512x32xf32, #tpu.memory_space<vmem>>, vector<4x512x32xf32>,
    return
  }
}

</mosaic_0001>

<sc_bundles>
// kernel: kernel.4.cloned.1.call-start
scs
__scs_entry_jumppad:
0x0: {  	(pc) =	sbr.rel $0x88, $3  }
0x1: {  	(tag) =	ssettag $0x0;
	lr =	simm.s32 $0x1  }
0x2: {  	[smem:$0x3F81] =	sst lr;
	_ =	strace $0xD0000000  }
0x3: {  	_ = 	snop  }
0x4: {  	_ = 	snop  }
0x5: {  	_ = 	snop  }
0x6: {  	_ = 	snop  }
0x7: {  	_ = 	snop  }
__scs_overlays_trampoline_lowered:
0x8: {  	[smem:$0x3F90] =	sst s0  }
0x9: {  	[smem:$0x3F91] =	sst s1  }
0xa: {  	[smem:$0x3F92] =	sst s2  }
0xb: {  	[smem:$0x3F93] =	sst s3  }
0xc: {  	[smem:$0x3F94] =	sst s4  }
0xd: {  	[smem:$0x3F95] =	sst s5  }
0xe: {  	[smem:$0x3F96] =	sst s6  }
0xf: {  	[smem:$0x3F97] =	sst s7  }
0x10: {  	[smem:$0x3F98] =	sst s8  }
0x11: {  	[smem:$0x3F99] =	sst s9;
	s0 =	simm.s32 @!p0 $0x0  }
0x12: {  	s1 =	sld [smem:$0x3F7F];
	s0 =	simm.s32 @p0 $0x1  }
0x13: {  	[smem:$0x3F9A] =	sst s0;
	s0 =	simm.s32 @!p1 $0x0  }
0x14: {  	s2 =	sld [smem:$0x3F7E];
	s0 =	simm.s32 @p1 $0x1  }
0x15: {  	[smem:$0x3F9B] =	sst s0;
	s0 =	simm.s32 @!p2 $0x0  }
0x16: {  	s3 =	sld [smem:$0x3FDB];
	s0 =	simm.s32 @p2 $0x1  }
0x17: {  	s4 =	simm.s32 $0x1BF5;
	[smem:$0x3F9D] =	sst s0  }
0x18: {  	s0 =	sld [smem:$0x3F80];
	_ =	swait.ge [sflag:s4], $0x0  }
0x19: {  	s7 =	sld [smem:$0x3F81]  }
0x1a: {  	s8 =	sadd.s32 $0xFFFFE003, lr  }
0x1b: {  	s9 =	sadd.s32 $0xFFFFFEF7, lr;
	s5 =	simm.s32 $0xFFFFFFFF;
	p2 =	slt.u32 s8, $0xFFFFF086  }
0x1c: {  	p1 =	slt.u32 s9, $0xF7A;
	s5 =	simm.s32 @!p2 $0x0  }
0x1d: {  	s5 =	simm.s32 @p1 $0x1;
	p0 =	seq.s32 s7, s2  }
0x1e: {  	s7 =	smul.u32 @!p0 $0xF7A, s2;
	p2 =	seq.s32 @!p0 s5, $0x0  }
0x1f: {  	s9 =	smul.u32 $0xF7A, s1;
	s8 =	simm.s32 @!p0 $0x1BF5;
	p2 =	por !p2, p0  }
0x20: {  	[sflag:s8] =	ssyncset.s32 @!p0 $0xFFFFF086;
	s6 =	sadd.s32 @!p0 s3, s7;
	s7 =	simm.s32 @!p0 $0x108  }
0x21: {  	s3 =	sadd.s32 s3, s9;
	s6 =	sadd.s32 @!p0 $0x88, s6;
	s7 =	simm.s32 @p2 $0x1082  }
0x22: {  	[simem:s7], [sflag:s8] =	dma.local @!p0 [hbm:s6], $0xF7A  }
0x23: {  	s9 =	sor.u32 $0xD0000000, s2;
	s6 =	simm.s32 $0x108;
	_ =	swait.ge @!p0 [sflag:s8], $0x0  }
0x24: {  	s3 =	sadd.s32 $0x88, s3;
	s6 =	simm.s32 @!p1 $0x1082;
	[sflag:s4] =	ssyncset.s32 $0xFFFFF086  }
0x25: {  	[simem:s6], [sflag:s4] =	dma.local [hbm:s3], $0xF7A  }
0x26: {  	[smem:$0x3F81] =	sst s1;
	(tag) =	ssettag s2;
	_ =	strace s9  }
0x27: {  	s1 =	sld [smem:$0x3F91]  }
0x28: {  	s2 =	sld [smem:$0x3F92]  }
0x29: {  	s4 =	sld [smem:$0x3F94]  }
0x2a: {  	p0 =	seq.s32 s5, $0x0;
	s5 =	sld [smem:$0x3F95]  }
0x2b: {  	s6 =	sld [smem:$0x3F96]  }
0x2c: {  	s7 =	sld [smem:$0x3F97]  }
0x2d: {  	s3 =	simm.s32 $0x108;
	s8 =	sld [smem:$0x3F98]  }
0x2e: {  	s3 =	simm.s32 @!p0 $0x1082;
	s9 =	sld [smem:$0x3F99]  }
0x2f: {  	lr =	sadd.s32 s0, s3;
	s0 =	sld [smem:$0x3F90]  }
0x30: {  	s3 =	sld [smem:$0x3F93]  }
0x31: {  	[smem:$0x3F9C] =	sst s10  }
0x32: {  	s10 =	sld [smem:$0x3F9A];
	_ =	sdelay $0x3  }
0x33: {  	p0 =	seq.s32 s10, $0x1;
	s10 =	sld [smem:$0x3F9C];
	_ =	sdelay $0x3  }
0x34: {  	[smem:$0x3F9C] =	sst s10  }
0x35: {  	s10 =	sld [smem:$0x3F9B];
	_ =	sdelay $0x3  }
0x36: {  	p1 =	seq.s32 s10, $0x1;
	s10 =	sld [smem:$0x3F9C];
	_ =	sdelay $0x3  }
0x37: {  	[smem:$0x3F9C] =	sst s10  }
0x38: {  	s10 =	sld [smem:$0x3F9D]  }
0x39: {  	_ = 	snop;
	(pc) =	sbr.ind lr, $3  }
0x3a: {  	_ = 	snop  }
0x3b: {  	_ = 	snop  }
0x3c: {  	p2 =	seq.s32 s10, $0x1;
	s10 =	sld [smem:$0x3F9C]  }
0x3d: {  	_ =	shalt  }
0x3e: {  	_ =	shalt  }
0x3f: {  	_ =	shalt  }
0x40: {  	_ =	shalt  }
0x41: {  	_ =	shalt  }
0x42: {  	_ =	shalt  }
0x43: {  	_ =	shalt  }
0x44: {  	_ =	shalt  }
0x45: {  	_ =	shalt  }
0x46: {  	_ =	shalt  }
0x47: {  	_ =	shalt  }
0x48: {  	_ =	shalt  }
0x49: {  	_ =	shalt  }
0x4a: {  	_ =	shalt  }
0x4b: {  	_ =	shalt  }
0x4c: {  	_ =	shalt  }
0x4d: {  	_ =	shalt  }
0x4e: {  	_ =	shalt  }
0x4f: {  	_ =	shalt  }
0x50: {  	_ =	shalt  }
0x51: {  	_ =	shalt  }
0x52: {  	_ =	shalt  }
0x53: {  	_ =	shalt  }
0x54: {  	_ =	shalt  }
0x55: {  	_ =	shalt  }
0x56: {  	_ =	shalt  }
0x57: {  	_ =	shalt  }
0x58: {  	_ =	shalt  }
0x59: {  	_ =	shalt  }
0x5a: {  	_ =	shalt  }
0x5b: {  	_ =	shalt  }
0x5c: {  	_ =	shalt  }
0x5d: {  	_ =	shalt  }
0x5e: {  	_ =	shalt  }
0x5f: {  	_ =	shalt  }
0x60: {  	_ =	shalt  }
0x61: {  	_ =	shalt  }
0x62: {  	_ =	shalt  }
0x63: {  	_ =	shalt  }
0x64: {  	_ =	shalt  }
0x65: {  	_ =	shalt  }
0x66: {  	_ =	shalt  }
0x67: {  	_ =	shalt  }
0x68: {  	_ =	shalt  }
0x69: {  	_ =	shalt  }
0x6a: {  	_ =	shalt  }
0x6b: {  	_ =	shalt  }
0x6c: {  	_ =	shalt  }
0x6d: {  	_ =	shalt  }
0x6e: {  	_ =	shalt  }
0x6f: {  	_ =	shalt  }
0x70: {  	_ =	shalt  }
0x71: {  	_ =	shalt  }
0x72: {  	_ =	shalt  }
0x73: {  	_ =	shalt  }
0x74: {  	_ =	shalt  }
0x75: {  	_ =	shalt  }
0x76: {  	_ =	shalt  }
0x77: {  	_ =	shalt  }
0x78: {  	_ =	shalt  }
0x79: {  	_ =	shalt  }
0x7a: {  	_ =	shalt  }
0x7b: {  	_ =	shalt  }
0x7c: {  	_ =	shalt  }
0x7d: {  	_ =	shalt  }
0x7e: {  	_ =	shalt  }
0x7f: {  	_ =	shalt  }
0x80: {  	_ =	shalt  }
0x81: {  	_ =	shalt  }
0x82: {  	_ =	shalt  }
0x83: {  	_ =	shalt  }
0x84: {  	_ =	shalt  }
0x85: {  	_ =	shalt  }
0x86: {  	_ =	shalt  }
0x87: {  	_ =	shalt  }
.Lfunc_end0:
.L_simem_size_0:
called_computation_lowered:
.L_overlay_start_0:
0x88: {  	s2 =	sld [smem:$0x3FD9]  }
0x89: {  	s3 =	sld [smem:$0x3FFE];
	_ =	sdelay $0x1  }
0x8a: {  	s1 =	srdreg.scid  }
0x8b: {  	s0 =	sand.u32 $0x1, s1  }
0x8c: {  	s17 =	sshll.u32 s0, $0xA;
	s2 =	sadd.s32 s3, s2  }
0x8d: {  	s2 =	sadd.s32 s2, s17  }
0x8e: {  	[smem:$0x3FA8] =	sst s2  }
0x8f: {  	_ = 	snop  }
0x90: {  	s2 =	sld [smem:$0x3FBC]  }
0x91: {  	s18 =	sld [smem:$0x3FD0];
	(tm) =	ssettm $0x1  }
0x92: {  	s4 =	sld [smem:$0x3FFB];
	_ =	sdelay $0x3  }
0x93: {  	_ =	strace s4  }
0x94: {  	s4 =	sld [smem:$0x3FFC];
	_ =	sdelay $0x3  }
0x95: {  	_ =	strace s4  }
0x96: {  	s4 =	sld [smem:$0x3FFD];
	_ =	sdelay $0x3  }
0x97: {  	_ =	strace s4  }
0x98: {  	_ =	strace $0x8FFFFFFF  }
0x99: {  	s19 =	sld [smem:$0x3FDB];
	_ =	sdelay $0x1  }
0x9a: {  	s5 =	simm.s32 $_scs_section_size  }
0x9b: {  	s6 =	simm.s32 $_size__tile_overlayer_lowered;
	s7 =	simm.s32 $_tile_overlayer_lowered  }
0x9c: {  	s22 =	simm.s32 $0x1BFF;
	s21 =	sshll.u32 s7, $0x1;
	s4 =	sadd.s32 s5, s19  }
0x9d: {  	s8 =	simm.s32 $0x0;
	s20 =	sshll.u32 s6, $0x1;
	s6 =	sadd.s32 s21, s4  }
0x9e: {  	[timem:s8], [sflag:s22] =	dma.local [hbm:s6], s20  }
0x9f: {  	_ =	swait.ge [sflag:s22], s20  }
0xa0: {  	s5 =	ssub.s32 $0x0, s20;
	[sflag:s22] =	ssyncset.done $0x0  }
0xa1: {  	[sflag:s22] =	ssyncadd.s32 s5;
	_ =	sdelay $0x1  }
0xa2: {  	s23 =	simm.s32 $0x1B8B  }
0xa3: {  	_ =	swait.ge [sflag:s23], $0x1  }
0xa4: {  	[sflag:s23] =	ssyncset.done $0x0  }
0xa5: {  	s25 =	simm.s32 $0x1B8E;
	s24 =	sld [smem:$0x3FFE];
	[sflag:s23] =	ssyncadd.s32 $0xFFFFFFFF  }
0xa6: {  	s26 =	simm.s32 $execute0_lowered;
	[smem:$0x3FD2] =	sst s25  }
0xa7: {  	s6 =	sshll.u32 s26, $0x1;
	_ =	strace $0x80000046;
	[dreg:$0x1] =	wrdreg $0xFFFFFFFF  }
0xa8: {  	s28 =	simm.s32 $_size_execute0_lowered;
	s4 =	sadd.s32 s4, s6;
	[dreg:$0x0] =	wrdreg $0x0  }
0xa9: {  	s6 =	sshll.u32 s28, $0x1;
	[dreg:$0x2] =	wrdreg s4  }
0xaa: {  	[dreg:$0x3] =	wrdreg s6  }
0xab: {  	[dreg:$0x4] =	wrdreg $0xC0  }
0xac: {  	_ =	task [dreg:s8], $0x5FFFF  }
0xad: {  	[dreg:$0x1] =	wrdreg $0xFFFFFFFF  }
0xae: {  	[dreg:$0x0] =	wrdreg $0x60  }
0xaf: {  	[dreg:$0x2] =	wrdreg s24  }
0xb0: {  	[dreg:$0x3] =	wrdreg s2  }
0xb1: {  	[dreg:$0x4] =	wrdreg s18  }
0xb2: {  	[dreg:$0x5] =	wrdreg $0x9  }
0xb3: {  	_ =	task.clear_ibuf [dreg:s8], $0x6FFFF;
	_ =	strace $0x90000046  }
0xb4: {  	s29 =	simm.s32 $0x9;
	_ =	strace $0x80000048  }
0xb5: {  	_ =	swait.ge [sflag:s29], $0x1  }
0xb6: {  	[sflag:s29] =	ssyncadd.s32 $0xFFFFFFFF  }
0xb7: {  	_ =	strace $0x90000048  }
0xb8: {  	_ =	sfence  }
0xb9: {  	s30 =	sld [smem:$0x0];
	_ =	sdelay $0x2  }
0xba: {  	s31 =	sshll.u32 s1, $0xD;
	s1 =	sshrl.u32 s1, $0x2  }
0xbb: {  	s3 =	sand.u32 $0x4000, s31;
	s1 =	sadd.s32 s1, s30  }
0xbc: {  	s0 =	sor.u32 s3, s0;
	s1 =	sshll.u32 s1, $0x11  }
0xbd: {  	s0 =	sor.u32 s1, s0  }
0xbe: {  	s0 =	sadd.s32 $0x8F2B, s0  }
0xbf: {  	[sflag:s0] =	ssyncadd.remote.s32 $0x1  }
0xc0: {  	_ =	sfence.sel $0xFFFF  }
0xc1: {  	[dreg:$0x0] =	wrdreg $0xFFFFFFFF;
	(pc) =	sbr.abs _section_cstart, $3  }
0xc2: {  	[dreg:$0x1] =	wrdreg $0xFFFFFFFF  }
0xc3: {  	_ =	task.clear_ibuf [dreg:s8], $0x2FFFF;
	_ =	strace $0x9FFFFFFF  }
0xc4: {  	(tm) =	ssettm $0x7FFFFFFF  }
0xc5: {  	_ =	shalt  }
tec
execute0_lowered:
.L_overlay_start_1:
0x0: {  	(tag) =	ssettag $0x1  }
0x1: {  	s0 =	rddreg [dreg:$0x0]  }
0x2: {  	s1 =	rddreg [dreg:$0x2]  }
0x3: {  	s2 =	srdreg.scid;
	s4 =	stileid.u32  }
0x4: {  	s3 =	simm.s32 $0x0;
	s30 =	simm.s32 $0xE770;
	s28 =	simm.s32 $0x2420  }
0x5: {  	s29 =	simm.s32 $0x110;
	s31 =	simm.s32 $0x1398;
	s2 =	sand.u32 $0x1, s2  }
0x6: {  	s4 =	sshll.u32 s4, $0x1;
	[smem:$0x7FF] =	sst s3;
	s5 =	sadd.s32 $0x35A00, s0  }
0x7: {  	s6 =	sadd.s32 $0x4C00, s0;
	s7 =	sadd.s32 $0x18B600, s0;
	s11 =	sadd.s32 $0x66C00, s0  }
0x8: {  	s12 =	sadd.s32 $0x66A00, s0;
	_ =	strace $0x80000047;
	[dreg:$0x5] =	wrdreg s11  }
0x9: {  	s13 =	sadd.s32 $0x66800, s0;
	s17 =	sadd.s32 $0x6F200, s0;
	[dreg:$0x6] =	wrdreg s12  }
0xa: {  	s4 =	sor.u32 s2, s4;
	[dreg:$0x7] =	wrdreg s13;
	s2 =	ssub.s32 $0x2, s2  }
0xb: {  	[dreg:$0x8] =	wrdreg s17;
	s8 =	smul.u32 $0xA, s4;
	s10 =	sshll.u32 s4, $0x4  }
0xc: {  	s24 =	smul.u32 $0x140, s4;
	p0 =	seq.s32 s4, $0x0;
	s12 =	sadd.s32 $0xFFFFFFFE, s4  }
0xd: {  	s25 =	sshll.u32 s4, $0x9;
	s14 =	smul.u32 $0x11, s4;
	s16 =	sshrl.u32 s2, $0x1  }
0xe: {  	s22 =	sshll.u32 s4, $0x3;
	s23 =	sshll.u32 s4, $0x8;
	p1 =	sgt.s32 s4, $0x2  }
0xf: {  	p2 =	seq.s32 s4, $0x1;
	p3 =	seq.s32 s4, $0x2;
	[dreg:$0x4] =	wrdreg s4  }
0x10: {  	p4 =	sne.s32 s4, $0x2;
	s10 =	sadd.s32 s10, s0;
	s12 =	simm.s32 @p0 $0x0  }
0x11: {  	s13 =	sadd.s32 s25, s0;
	s26 =	ssub.s32 s2, s16;
	s20 =	sadd.s32 s1, s23  }
0x12: {  	s1 =	simm.s32 $0x90;
	s2 =	simm.s32 $0x0;
	s9 =	sadd.s32 s8, s0  }
0x13: {  	s8 =	sadd.s32 $0x4800, s0;
	s11 =	sadd.s32 s24, s0;
	s15 =	sshll.u32 s12, $0xA  }
0x14: {  	s14 =	sadd.s32 s14, s0;
	s17 =	sadd.s32 $0x4A00, s10;
	s24 =	sshll.u32 s12, $0xB  }
0x15: {  	s23 =	smax.u32 s26, $0x1;
	s26 =	sshll.u32 s12, $0x9;
	s10 =	simm.s32 $0x198  }
0x16: {  	v0 =	vimm.s32 $0x800;
	v2 =	vlaneseq.u32;
	s12 =	simm.s32 $0xB98;
	s15 =	sand.u32 $0x1FFFFC00, s15;
	s16 =	sadd.s32 s8, s22  }
0x17: {  	vm0 =	vcmask $0x3F3C;
	vm1 =	vcmask $0x3B38;
	vm2 =	vcmask $0x3734;
	s18 =	sadd.s32 $0x67000, s14;
	s19 =	sadd.s32 $0x6B600, s11;
	s25 =	sshra.s32 s24, $0x2  }
.Ltmp0:
0x18: {  	vm3 =	vcmask $0x3330;
	vm4 =	vcmask $0x2F2C;
	vm5 =	vcmask $0x2B28;
	s15 =	sadd.s32 s15, s0;
	s0 =	sadd.s32 $0x6F400, s0;
	(pc) =	sbr.rel .LBB2_1-.Ltmp0, $4  }
0x19: {  	vm6 =	vcmask $0x2724;
	vm7 =	vcmask $0x2320;
	vm8 =	vcmask $0x1F1C;
	s22 =	sadd.s32 $0x6EE00, s14;
	[dreg:$0x9] =	wrdreg s0;
	s0 =	sadd.s32 $0xE770, s25  }
0x1a: {  	vm9 =	vcmask $0x1B18;
	vm10 =	vcmask $0x1714;
	s11 =	simm.s32 $0x2398;
	s21 =	sadd.s32 $0x6DE00, s15;
	s15 =	sadd.s32 $0x67400, s9;
	v1 =	vmov s0  }
0x1b: {  	vm11 =	vcmask $0x1310;
	vm12 =	vcmask $0xF0C;
	vm13 =	vcmask $0xB08;
	s9 =	sor.u32 $0x1F0, s26;
	s26 =	simm.s32 $0x2;
	[dreg:$0xa] =	wrdreg s21  }
0x1c: {  	vm14 =	vcmask $0x704;
	v3 =	vimm.s32 $0x0;
	v4 =	vimm.s32 $0x1;
	s21 =	sadd.s32 $0x67600, s13;
	s0 =	simm.s32 $0x50;
	s13 =	simm.s32 $0x1  }
.LBB2_28:
0x1d: {  	_ =	swait.ge [sflag:s26], $0x800  }
0x1e: {  	[sflag:s26] =	ssyncset.done $0x0  }
0x1f: {  	[sflag:s26] =	ssyncadd.s32 $0xFFFFF800  }
.LBB2_29:
0x20: {  	[tilespmem:s3], [sflag:$0x2] =	stream.linear.gather [hbm4b:s15+s3], $0x50, $0x38;
	[tilespmem:$0x13370] =	vst v63  }
0x21: {  	_ =	swait.ge [sflag:s26], $0x50  }
0x22: {  	[sflag:s26] =	ssyncset.done $0x0  }
0x23: {  	[sflag:s26] =	ssyncadd.s32 $0xFFFFFFB0  }
0x24: {  	[tilespmem:s0], [sflag:$0x2] =	stream.linear.gather [hbm4b:s16+s3], $0x40, $0x38;
	[tilespmem:$0x13370] =	vst v63  }
0x25: {  	_ =	swait.ge [sflag:s26], $0x40  }
0x26: {  	[sflag:s26] =	ssyncset.done $0x0  }
0x27: {  	[sflag:s26] =	ssyncadd.s32 $0xFFFFFFC0  }
0x28: {  	[tilespmem:s1], [sflag:$0x2] =	stream.linear.gather [hbm4b:s17+s3], $0x80, $0x38;
	[tilespmem:$0x13370] =	vst v63  }
0x29: {  	_ =	swait.ge [sflag:s26], $0x80  }
0x2a: {  	[sflag:s26] =	ssyncset.done $0x0  }
0x2b: {  	[sflag:s26] =	ssyncadd.s32 $0xFFFFFF80  }
0x2c: {  	[tilespmem:s29], [sflag:$0x2] =	stream.linear.gather [hbm4b:s18+s3], $0x88, $0x38;
	[tilespmem:$0x13370] =	vst v63  }
0x2d: {  	_ =	swait.ge [sflag:s26], $0x88  }
0x2e: {  	[sflag:s26] =	ssyncset.done $0x0  }
0x2f: {  	[sflag:s26] =	ssyncadd.s32 $0xFFFFFF78  }
0x30: {  	[tilespmem:s10], [sflag:$0x1] =	stream.indirect.gather [hbm4b:s5+s0], $0x20, s3, s0, $0xb8;
	[tilespmem:$0x13370] =	vst v63  }
0x31: {  	s4 =	simm.s32 $0x40  }
0x32: {  	[tilespmem:s12], [sflag:$0x1] =	stream.indirect.gather [hbm4b:s6+s4], $0x20, s0, s4, $0xb8;
	[tilespmem:$0x13370] =	vst v63  }
0x33: {  	s24 =	simm.s32 $0x80  }
0x34: {  	[tilespmem:s31], [sflag:$0x1] =	stream.indirect.gather [hbm4b:s7+s24], $0x20, s1, s24, $0xb8;
	[tilespmem:$0x13370] =	vst v63  }
0x35: {  	s14 =	simm.s32 $0x88;
	s25 =	rddreg [dreg:$0x1]  }
0x36: {  	[tilespmem:s11], [sflag:$0x1] =	stream.indirect.gather [hbm4b:s25+s14], $0x1, s29, s14, $0xb8;
	[tilespmem:$0x13370] =	vst v63  }
0x37: {  	_ =	swait.ge [sflag:s13], $0xA00  }
0x38: {  	[sflag:s13] =	ssyncset.done $0x0  }
0x39: {  	[sflag:s13] =	ssyncadd.s32 $0xFFFFF600  }
0x3a: {  	_ =	swait.ge [sflag:s13], $0x800  }
0x3b: {  	[sflag:s13] =	ssyncset.done $0x0  }
0x3c: {  	[sflag:s13] =	ssyncadd.s32 $0xFFFFF800  }
0x3d: {  	_ =	swait.ge [sflag:s13], $0x1000  }
0x3e: {  	[sflag:s13] =	ssyncset.done $0x0  }
0x3f: {  	[sflag:s13] =	ssyncadd.s32 $0xFFFFF000  }
0x40: {  	_ =	swait.ge [sflag:s13], $0x88  }
0x41: {  	[sflag:s13] =	ssyncset.done $0x0  }
0x42: {  	[sflag:s13] =	ssyncadd.s32 $0xFFFFFF78  }
0x43: {  	[hbm4b:s19+s3] =	stream.linear.scatter [tilespmem:s10], [sflag:$0x2], $0xA00, $0x38;
	[tilespmem:$0x13370] =	vst v63  }
0x44: {  	_ =	swait.ge [sflag:s26], $0xA00  }
0x45: {  	[sflag:s26] =	ssyncset.done $0x0  }
0x46: {  	[sflag:s26] =	ssyncadd.s32 $0xFFFFF600  }
0x47: {  	[hbm4b:s20+s3] =	stream.linear.scatter [tilespmem:s12], [sflag:$0x2], $0x800, $0x38;
	[tilespmem:$0x13370] =	vst v63  }
0x48: {  	_ =	swait.ge [sflag:s26], $0x800  }
0x49: {  	[sflag:s26] =	ssyncset.done $0x0  }
0x4a: {  	[sflag:s26] =	ssyncadd.s32 $0xFFFFF800  }
0x4b: {  	[hbm4b:s21+s3] =	stream.linear.scatter [tilespmem:s31], [sflag:$0x2], $0x1000, $0x38;
	[tilespmem:$0x13370] =	vst v63  }
0x4c: {  	s2 =	sadd.s32 $0x1, s2;
	_ =	swait.ge [sflag:s26], $0x1000  }
0x4d: {  	p5 =	sne.s32 s2, s23;
	[sflag:s26] =	ssyncset.done $0x0  }
.Ltmp1:
0x4e: {  	[sflag:s26] =	ssyncadd.s32 $0xFFFFF000;
	(pc) =	sbr.rel @!p5 .LBB2_30-.Ltmp1, $4  }
0x4f: {  	[hbm4b:s22+s3] =	stream.linear.scatter [tilespmem:s11], [sflag:$0x2], $0x88, $0x38;
	[tilespmem:$0x13370] =	vst v63  }
0x50: {  	_ =	swait.ge [sflag:s26], $0x88  }
0x51: {  	[sflag:s26] =	ssyncset.done $0x0  }
0x52: {  	[sflag:s26] =	ssyncadd.s32 $0xFFFFFF78  }
.LBB2_1:
.Ltmp2:
0x53: {  	(pc) =	sbr.rel @p1 .LBB2_12-.Ltmp2, $1  }
0x54: {  	_ =	sdelay $0x3  }
.Ltmp3:
0x55: {  	(pc) =	sbr.rel @p0 .LBB2_13-.Ltmp3, $1  }
0x56: {  	_ =	sdelay $0x3  }
.Ltmp4:
0x57: {  	(pc) =	sbr.rel @p2 .LBB2_21-.Ltmp4, $1  }
0x58: {  	_ =	sdelay $0x3  }
.Ltmp5:
0x59: {  	(pc) =	sbr.rel @p3 .LBB2_5-.Ltmp5, $4  }
.Ltmp6:
0x5a: {  	(pc) =	sbr.rel @!p3 .LBB2_29-.Ltmp6, $4  }
0x5b: {  	_ = 	snop  }
0x5c: {  	_ = 	snop  }
0x5d: {  	_ = 	snop  }
0x5e: {  	_ = 	snop  }
.LBB2_12:
0x5f: {  	s4 =	rddreg [dreg:$0x4]  }
0x60: {  	s14 =	sadd.s32 $0xFFFFFFFD, s4  }
0x61: {  	p5 =	sgt.u32 s14, $0x2  }
.Ltmp7:
0x62: {  	_ = 	snop;
	(pc) =	sbr.rel @p5 .LBB2_29-.Ltmp7, $1  }
0x63: {  	_ =	sdelay $0x3  }
.LBB2_13:
0x64: {  	s14 =	simm.s32 $0x40;
	s24 =	simm.s32 $0x0  }
.LBB2_14:
0x65: {  	p5 =	sne.s32 s14, $0x30D00;
	[tilespmem:s24+$0x2420] =	vst v0;
	s24 =	smov.u32 s14;
	s14 =	sadd.s32 $0x40, s14  }
.Ltmp8:
0x66: {  	(pc) =	sbr.rel @p5 .LBB2_14-.Ltmp8, $2  }
0x67: {  	_ =	sdelay $0x2  }
0x68: {  	s24 =	sshra.s32 s24, $0x2  }
0x69: {  	[tilespmem:s24+$0x2420] =	vst v0  }
0x6a: {  	[tilespmem:s30], [sflag:$0x2] =	stream.linear.gather [hbm4b:s8+s3], $0x800, $0x38;
	[tilespmem:$0x13370] =	vst v63  }
0x6b: {  	_ =	swait.ge [sflag:s26], $0x800  }
0x6c: {  	[sflag:s26] =	ssyncset.done $0x0  }
0x6d: {  	s14 =	simm.s32 $0x1F0;
	[sflag:s26] =	ssyncadd.s32 $0xFFFFF800  }
0x6e: {  	v5 =	vld.idx.msk [tilespmem:v1+s14+$0x0 ss:$0x1], $0xffff;
	_ =	sdelay $0x6  }
0x6f: {  	v6 =	vor.u32 s9, v2  }
0x70: {  	[tilespmem:v5+s28+$0x0] =	vst.idx.msk vm0, v6  }
0x71: {  	[tilespmem:v5+s28+$0x0] =	vst.idx.msk vm1, v6  }
0x72: {  	[tilespmem:v5+s28+$0x0] =	vst.idx.msk vm2, v6  }
0x73: {  	[tilespmem:v5+s28+$0x0] =	vst.idx.msk vm3, v6  }
0x74: {  	[tilespmem:v5+s28+$0x0] =	vst.idx.msk vm4, v6  }
0x75: {  	[tilespmem:v5+s28+$0x0] =	vst.idx.msk vm5, v6  }
0x76: {  	[tilespmem:v5+s28+$0x0] =	vst.idx.msk vm6, v6  }
0x77: {  	[tilespmem:v5+s28+$0x0] =	vst.idx.msk vm7, v6  }
0x78: {  	[tilespmem:v5+s28+$0x0] =	vst.idx.msk vm8, v6  }
0x79: {  	[tilespmem:v5+s28+$0x0] =	vst.idx.msk vm9, v6  }
0x7a: {  	[tilespmem:v5+s28+$0x0] =	vst.idx.msk vm10, v6  }
0x7b: {  	[tilespmem:v5+s28+$0x0] =	vst.idx.msk vm11, v6  }
0x7c: {  	[tilespmem:v5+s28+$0x0] =	vst.idx.msk vm12, v6  }
0x7d: {  	[tilespmem:v5+s28+$0x0] =	vst.idx.msk vm13, v6  }
0x7e: {  	s25 =	simm.s32 $0x740;
	s24 =	smov.u32 s9;
	s14 =	simm.s32 $0x780;
	[tilespmem:v5+s28+$0x0] =	vst.idx.msk vm14, v6  }
.LBB2_16:
0x7f: {  	s30 =	sshra.s32 s14, $0x2  }
0x80: {  	[tilespmem:v5+s28+$0x0] =	vst.idx.msk $0x1, v6;
	s24 =	sadd.s32 $0xFFFFFFF0, s24;
	s14 =	smov.u32 s25;
	s4 =	sadd.s32 $0xFFFFFFC0, s25  }
0x81: {  	p5 =	sne.s32 s25, $0x0;
	v5 =	vld.idx.msk [tilespmem:v1+s30+$0x0 ss:$0x1], $0xffff;
	_ =	sdelay $0x6  }
0x82: {  	v6 =	vor.u32 s24, v2  }
0x83: {  	[tilespmem:v5+s28+$0x0] =	vst.idx.msk vm0, v6  }
0x84: {  	[tilespmem:v5+s28+$0x0] =	vst.idx.msk vm1, v6  }
0x85: {  	[tilespmem:v5+s28+$0x0] =	vst.idx.msk vm2, v6  }
0x86: {  	[tilespmem:v5+s28+$0x0] =	vst.idx.msk vm3, v6  }
0x87: {  	[tilespmem:v5+s28+$0x0] =	vst.idx.msk vm4, v6  }
0x88: {  	[tilespmem:v5+s28+$0x0] =	vst.idx.msk vm5, v6  }
0x89: {  	[tilespmem:v5+s28+$0x0] =	vst.idx.msk vm6, v6  }
0x8a: {  	[tilespmem:v5+s28+$0x0] =	vst.idx.msk vm7, v6  }
0x8b: {  	[tilespmem:v5+s28+$0x0] =	vst.idx.msk vm8, v6  }
0x8c: {  	[tilespmem:v5+s28+$0x0] =	vst.idx.msk vm9, v6  }
.Ltmp9:
0x8d: {  	[tilespmem:v5+s28+$0x0] =	vst.idx.msk vm10, v6;
	(pc) =	sbr.rel @p5 .LBB2_16-.Ltmp9, $4  }
0x8e: {  	[tilespmem:v5+s28+$0x0] =	vst.idx.msk vm11, v6  }
0x8f: {  	[tilespmem:v5+s28+$0x0] =	vst.idx.msk vm12, v6  }
0x90: {  	[tilespmem:v5+s28+$0x0] =	vst.idx.msk vm13, v6  }
0x91: {  	s25 =	smov.u32 s4;
	[tilespmem:v5+s28+$0x0] =	vst.idx.msk vm14, v6  }
0x92: {  	_ =	sdelay $0x3  }
0x93: {  	s4 =	sshra.s32 s14, $0x2;
	[tilespmem:v5+s28+$0x0] =	vst.idx.msk $0x1, v6  }
0x94: {  	v5 =	vld.idx.msk [tilespmem:v1+s4+$0x0 ss:$0x1], $0xffff;
	_ =	sdelay $0x5  }
0x95: {  	s14 =	sadd.s32 $0xFFFFFFF0, s24  }
0x96: {  	v6 =	vor.u32 s14, v2  }
0x97: {  	[tilespmem:v5+s28+$0x0] =	vst.idx.msk vm0, v6  }
0x98: {  	[tilespmem:v5+s28+$0x0] =	vst.idx.msk vm1, v6  }
0x99: {  	[tilespmem:v5+s28+$0x0] =	vst.idx.msk vm2, v6  }
0x9a: {  	[tilespmem:v5+s28+$0x0] =	vst.idx.msk vm3, v6  }
0x9b: {  	[tilespmem:v5+s28+$0x0] =	vst.idx.msk vm4, v6  }
0x9c: {  	[tilespmem:v5+s28+$0x0] =	vst.idx.msk vm5, v6  }
0x9d: {  	[tilespmem:v5+s28+$0x0] =	vst.idx.msk vm6, v6  }
0x9e: {  	[tilespmem:v5+s28+$0x0] =	vst.idx.msk vm7, v6  }
0x9f: {  	[tilespmem:v5+s28+$0x0] =	vst.idx.msk vm8, v6  }
0xa0: {  	[tilespmem:v5+s28+$0x0] =	vst.idx.msk vm9, v6  }
0xa1: {  	[tilespmem:v5+s28+$0x0] =	vst.idx.msk vm10, v6  }
0xa2: {  	[tilespmem:v5+s28+$0x0] =	vst.idx.msk vm11, v6  }
0xa3: {  	[tilespmem:v5+s28+$0x0] =	vst.idx.msk vm12, v6  }
0xa4: {  	[tilespmem:v5+s28+$0x0] =	vst.idx.msk vm13, v6  }
0xa5: {  	[tilespmem:v5+s28+$0x0] =	vst.idx.msk vm14, v6  }
0xa6: {  	s24 =	simm.s32 $0x0;
	s25 =	rddreg [dreg:$0x5];
	s30 =	simm.s32 $0xF370;
	[tilespmem:v5+s28+$0x0] =	vst.idx.msk $0x1, v6  }
0xa7: {  	[tilespmem:s30], [sflag:$0x2] =	stream.linear.gather [hbm4b:s25+s24], $0x2000, $0x38;
	[tilespmem:$0x13370] =	vst v63  }
0xa8: {  	_ =	swait.ge [sflag:s26], $0x2000  }
0xa9: {  	[sflag:s26] =	ssyncset.done $0x0  }
0xaa: {  	s14 =	simm.s32 $0x0;
	[sflag:s26] =	ssyncadd.s32 $0xFFFFE000  }
0xab: {  	v5 =	vld [tilespmem:s14+$0xF370];
	_ =	sdelay $0x7  }
0xac: {  	s24 =	simm.s32 $0x10;
	s25 =	simm.s32 $0x80;
	v5 =	vld.idx.msk [tilespmem:v5+s28+$0x0], $0xffff  }
.LBB2_18:
0xad: {  	p5 =	sne.s32 s25, $0x7FC0;
	v6 =	vld [tilespmem:s24+$0xF370];
	_ =	sdelay $0x3  }
.Ltmp10:
0xae: {  	(pc) =	sbr.rel @p5 .LBB2_18-.Ltmp10, $2  }
0xaf: {  	[tilespmem:s14+$0x11370] =	vst v5;
	s14 =	smov.u32 s24;
	_ =	sdelay $0x2  }
0xb0: {  	s24 =	sshra.s32 s25, $0x2;
	s25 =	sadd.s32 $0x40, s25;
	v5 =	vld.idx.msk [tilespmem:v6+s28+$0x0], $0xffff  }
0xb1: {  	v6 =	vld [tilespmem:s24+$0xF370];
	_ =	sdelay $0x6  }
0xb2: {  	[tilespmem:s14+$0x11370] =	vst v5  }
0xb3: {  	v5 =	vld.idx.msk [tilespmem:v6+s28+$0x0], $0xffff;
	_ =	sdelay $0x4  }
.Ltmp11:
0xb4: {  	s4 =	rddreg [dreg:$0xa];
	s25 =	simm.s32 $0x11370;
	[tilespmem:s24+$0x11370] =	vst v5;
	(pc) =	sbr.rel @p2 .LBB2_21-.Ltmp11, $4  }
0xb5: {  	[hbm4b:s4+s3] =	stream.linear.scatter [tilespmem:s25], [sflag:$0x2], $0x2000, $0x38;
	[tilespmem:$0x13370] =	vst v63  }
0xb6: {  	_ =	swait.ge [sflag:s26], $0x2000  }
0xb7: {  	[sflag:s26] =	ssyncset.done $0x0  }
0xb8: {  	s30 =	simm.s32 $0xE770;
	[sflag:s26] =	ssyncadd.s32 $0xFFFFE000  }
.Ltmp12:
0xb9: {  	(pc) =	sbr.rel @p4 .LBB2_29-.Ltmp12, $1  }
0xba: {  	_ =	sdelay $0x3  }
.LBB2_5:
0xbb: {  	s14 =	simm.s32 $0x40;
	s24 =	simm.s32 $0x0  }
.LBB2_6:
0xbc: {  	p5 =	sne.s32 s14, $0x30D00;
	[tilespmem:s24+$0x2420] =	vst v3;
	s4 =	smov.u32 s14;
	s14 =	sadd.s32 $0x40, s14  }
.Ltmp13:
0xbd: {  	(pc) =	sbr.rel @p5 .LBB2_6-.Ltmp13, $2  }
0xbe: {  	_ =	sdelay $0x2  }
0xbf: {  	s24 =	sshra.s32 s4, $0x2  }
0xc0: {  	[tilespmem:s24+$0x2420] =	vst v3;
	s4 =	simm.s32 $0x0;
	s14 =	rddreg [dreg:$0x7];
	s25 =	simm.s32 $0xEF70  }
0xc1: {  	[tilespmem:s25], [sflag:$0x2] =	stream.linear.gather [hbm4b:s14+s4], $0x400, $0x38;
	[tilespmem:$0x13370] =	vst v63  }
0xc2: {  	_ =	swait.ge [sflag:s26], $0x400  }
0xc3: {  	[sflag:s26] =	ssyncset.done $0x0  }
0xc4: {  	s24 =	simm.s32 $0x0;
	s14 =	simm.s32 $0x40;
	[sflag:s26] =	ssyncadd.s32 $0xFFFFFC00  }
.LBB2_8:
0xc5: {  	p5 =	sne.s32 s14, $0xFC0;
	v5 =	vld [tilespmem:s24+$0xEF70];
	_ =	sdelay $0x3  }
.Ltmp14:
0xc6: {  	(pc) =	sbr.rel @p5 .LBB2_8-.Ltmp14, $2  }
0xc7: {  	_ =	sdelay $0x2  }
0xc8: {  	s24 =	sshra.s32 s14, $0x2;
	s14 =	sadd.s32 $0x40, s14;
	[tilespmem:v5+s28+$0x0] =	vst.idx.msk $0xffff, v4  }
0xc9: {  	v5 =	vld [tilespmem:s24+$0xEF70];
	_ =	sdelay $0x7  }
0xca: {  	s4 =	simm.s32 $0x0;
	[tilespmem:v5+s28+$0x0] =	vst.idx.msk $0xffff, v4  }
0xcb: {  	[tilespmem:s30], [sflag:$0x2] =	stream.linear.gather [hbm4b:s8+s4], $0x800, $0x38;
	[tilespmem:$0x13370] =	vst v63  }
0xcc: {  	_ =	swait.ge [sflag:s26], $0x800  }
0xcd: {  	[sflag:s26] =	ssyncset.done $0x0  }
0xce: {  	s14 =	simm.s32 $0x0;
	[sflag:s26] =	ssyncadd.s32 $0xFFFFF800  }
0xcf: {  	v5 =	vld [tilespmem:s14+$0xE770];
	_ =	sdelay $0x7  }
0xd0: {  	s24 =	simm.s32 $0x10;
	s25 =	simm.s32 $0x80;
	v5 =	vld.idx.msk [tilespmem:v5+s28+$0x0], $0xffff  }
.LBB2_10:
0xd1: {  	p5 =	sne.s32 s25, $0x1FC0;
	v6 =	vld [tilespmem:s24+$0xE770];
	_ =	sdelay $0x3  }
.Ltmp15:
0xd2: {  	(pc) =	sbr.rel @p5 .LBB2_10-.Ltmp15, $2  }
0xd3: {  	[tilespmem:s14+$0x11370] =	vst v5;
	s14 =	smov.u32 s24;
	_ =	sdelay $0x2  }
0xd4: {  	s24 =	sshra.s32 s25, $0x2;
	s25 =	sadd.s32 $0x40, s25;
	v5 =	vld.idx.msk [tilespmem:v6+s28+$0x0], $0xffff  }
0xd5: {  	v6 =	vld [tilespmem:s24+$0xE770];
	_ =	sdelay $0x6  }
0xd6: {  	[tilespmem:s14+$0x11370] =	vst v5  }
0xd7: {  	v5 =	vld.idx.msk [tilespmem:v6+s28+$0x0], $0xffff;
	_ =	sdelay $0x1  }
.Ltmp16:
0xd8: {  	_ = 	snop;
	(pc) =	sbr.rel .LBB2_28-.Ltmp16, $3  }
0xd9: {  	_ =	sdelay $0x1  }
0xda: {  	s4 =	rddreg [dreg:$0x9];
	s25 =	simm.s32 $0x11370;
	[tilespmem:s24+$0x11370] =	vst v5  }
0xdb: {  	[hbm4b:s4+s3] =	stream.linear.scatter [tilespmem:s25], [sflag:$0x2], $0x800, $0x38;
	[tilespmem:$0x13370] =	vst v63  }
.LBB2_21:
0xdc: {  	s14 =	simm.s32 $0x40;
	s24 =	simm.s32 $0x0  }
.LBB2_22:
0xdd: {  	p5 =	sne.s32 s14, $0x30D00;
	[tilespmem:s24+$0x2420] =	vst v3;
	s4 =	smov.u32 s14;
	s14 =	sadd.s32 $0x40, s14  }
.Ltmp17:
0xde: {  	(pc) =	sbr.rel @p5 .LBB2_22-.Ltmp17, $2  }
0xdf: {  	_ =	sdelay $0x2  }
0xe0: {  	s24 =	sshra.s32 s4, $0x2  }
0xe1: {  	[tilespmem:s24+$0x2420] =	vst v3;
	s4 =	simm.s32 $0x0;
	s14 =	rddreg [dreg:$0x6];
	s25 =	simm.s32 $0xEF70  }
0xe2: {  	[tilespmem:s25], [sflag:$0x2] =	stream.linear.gather [hbm4b:s14+s4], $0x400, $0x38;
	[tilespmem:$0x13370] =	vst v63  }
0xe3: {  	_ =	swait.ge [sflag:s26], $0x400  }
0xe4: {  	[sflag:s26] =	ssyncset.done $0x0  }
0xe5: {  	s24 =	simm.s32 $0x0;
	s14 =	simm.s32 $0x40;
	[sflag:s26] =	ssyncadd.s32 $0xFFFFFC00  }
.LBB2_24:
0xe6: {  	p5 =	sne.s32 s14, $0xFC0;
	v5 =	vld [tilespmem:s24+$0xEF70];
	_ =	sdelay $0x3  }
.Ltmp18:
0xe7: {  	(pc) =	sbr.rel @p5 .LBB2_24-.Ltmp18, $2  }
0xe8: {  	_ =	sdelay $0x2  }
0xe9: {  	s24 =	sshra.s32 s14, $0x2;
	s14 =	sadd.s32 $0x40, s14;
	[tilespmem:v5+s28+$0x0] =	vst.idx.msk $0xffff, v4  }
0xea: {  	v5 =	vld [tilespmem:s24+$0xEF70];
	_ =	sdelay $0x7  }
0xeb: {  	s4 =	simm.s32 $0x0;
	[tilespmem:v5+s28+$0x0] =	vst.idx.msk $0xffff, v4  }
0xec: {  	[tilespmem:s30], [sflag:$0x2] =	stream.linear.gather [hbm4b:s8+s4], $0x800, $0x38;
	[tilespmem:$0x13370] =	vst v63  }
0xed: {  	_ =	swait.ge [sflag:s26], $0x800  }
0xee: {  	[sflag:s26] =	ssyncset.done $0x0  }
0xef: {  	s14 =	simm.s32 $0x0;
	[sflag:s26] =	ssyncadd.s32 $0xFFFFF800  }
0xf0: {  	v5 =	vld [tilespmem:s14+$0xE770];
	_ =	sdelay $0x7  }
0xf1: {  	s24 =	simm.s32 $0x10;
	s25 =	simm.s32 $0x80;
	v5 =	vld.idx.msk [tilespmem:v5+s28+$0x0], $0xffff  }
.LBB2_26:
0xf2: {  	p5 =	sne.s32 s25, $0x1FC0;
	v6 =	vld [tilespmem:s24+$0xE770];
	_ =	sdelay $0x3  }
.Ltmp19:
0xf3: {  	(pc) =	sbr.rel @p5 .LBB2_26-.Ltmp19, $2  }
0xf4: {  	[tilespmem:s14+$0x11370] =	vst v5;
	s14 =	smov.u32 s24;
	_ =	sdelay $0x2  }
0xf5: {  	s24 =	sshra.s32 s25, $0x2;
	s25 =	sadd.s32 $0x40, s25;
	v5 =	vld.idx.msk [tilespmem:v6+s28+$0x0], $0xffff  }
0xf6: {  	v6 =	vld [tilespmem:s24+$0xE770];
	_ =	sdelay $0x6  }
0xf7: {  	[tilespmem:s14+$0x11370] =	vst v5  }
0xf8: {  	v5 =	vld.idx.msk [tilespmem:v6+s28+$0x0], $0xffff;
	_ =	sdelay $0x1  }
.Ltmp20:
0xf9: {  	_ = 	snop;
	(pc) =	sbr.rel .LBB2_28-.Ltmp20, $3  }
0xfa: {  	_ =	sdelay $0x1  }
0xfb: {  	s4 =	rddreg [dreg:$0x8];
	s25 =	simm.s32 $0x11370;
	[tilespmem:s24+$0x11370] =	vst v5  }
0xfc: {  	[hbm4b:s4+s3] =	stream.linear.scatter [tilespmem:s25], [sflag:$0x2], $0x800, $0x38;
	[tilespmem:$0x13370] =	vst v63  }
.LBB2_30:
0xfd: {  	_ =	sfence.sel $0x180000  }
0xfe: {  	[bflag:$0x0] =	sbarrier.arrive $0xFFFF  }
0xff: {  	_ =	strace $0x90000047  }
0x100: {  	s0 =	stileid.u32;
	[bflag:$0x2] =	sbarrier.arrive $0xFFFF  }
0x101: {  	p0 =	sne.s32 s0, $0x0;
	s0 =	rddreg [dreg:$0x3]  }
0x102: {  	s0 =	sadd.s32 @!p0 $0x100000, s0  }
0x103: {  	[sflag:s0] =	ssyncadd.tile.s32 @!p0 $0x1;
	_ =	shalt  }
.Lfunc_end2:
_tile_overlayer_lowered:
.L_overlay_start_2:
0x104: {  	(tag) =	ssettag $0x2  }
0x105: {  	s0 =	rddreg [dreg:$0x0];
	s2 =	stileid.u32  }
0x106: {  	s1 =	rddreg [dreg:$0x1];
	p0 =	sne.s32 s2, $0x0  }
0x107: {  	s3 =	rddreg [dreg:$0x2];
	[bflag:$0x3] =	sbarrier.arrive $0xFFFF;
	s2 =	simm.s32 @!p0 $0x1C02  }
0x108: {  	[timem:s3], [sflag:s2] =	dma.local @!p0 [hbm:s0], s1  }
0x109: {  	s0 =	simm.s32 @!p0 $0x2  }
0x10a: {  	_ =	swait.ge @!p0 [sflag:s0], s1  }
0x10b: {  	s1 =	ssub.s32 @!p0 $0x0, s1;
	[sflag:s0] =	ssyncset.done @!p0 $0x0  }
0x10c: {  	[sflag:s0] =	ssyncadd.s32 @!p0 s1  }
0x10d: {  	[bflag:$0x3] =	sbarrier.arrive $0xFFFF  }
0x10e: {  	_ =	shalt  }

</sc_bundles>
